<compile_context>
chip_gen: v7x
topology: tpu7x:2x2x1
jax: 0.10.2.dev20260603
libtpu: 0.0.44.dev20260713+nightly
codegen_flags: <defaults>
</compile_context>

<pallas_src>
import functools

import numpy as np
import jax
import jax.numpy as jnp
from jax import lax
from jax.experimental import pallas as pl
from jax.experimental.pallas import tpu as pltpu
from jax.experimental.pallas import tpu_sc as plsc

_K_IN = 32
_K_OUT = 16
_RADIUS = 0.2
_MODES = 4
_GS = 16
_NLAT = _GS ** 3
_C_FNO = 64
_BIG = 3.0e38


def _build_dft_bases():
    g = _GS
    kx = np.array([0, 1, 2, 3, g - 4, g - 3, g - 2, g - 1])
    kz = np.arange(_MODES)
    xs = np.arange(g)
    ex = np.exp(-2j * np.pi * np.outer(kx, xs) / g)
    ez = np.exp(-2j * np.pi * np.outer(kz, xs) / g)
    E = (ex[:, None, None, :, None, None]
         * ex[None, :, None, None, :, None]
         * ez[None, None, :, None, None, :])
    E = E.reshape(256, g ** 3)
    half = g // 2 + 1
    onehot = np.zeros((256, g, g, half), np.complex128)
    mi = 0
    for ix in range(8):
        for iy in range(8):
            for iz in range(_MODES):
                onehot[mi, kx[ix], kx[iy], kz[iz]] = 1.0
                mi += 1
    A = np.fft.irfftn(onehot, s=(g, g, g), axes=(1, 2, 3)).reshape(256, -1)
    B = np.fft.irfftn(1j * onehot, s=(g, g, g), axes=(1, 2, 3)).reshape(256, -1)
    return (E.real.astype(np.float32), E.imag.astype(np.float32),
            A.T.astype(np.float32).copy(), B.T.astype(np.float32).copy())


_ER_NP, _EI_NP, _GTA_NP, _GTB_NP = _build_dft_bases()


def _gelu(x):
    return jax.nn.gelu(x)


def _knn_body(q_ref, p_ref, idx_ref, d2_ref, scratch, *, k, np_, qb, cw):
    q = q_ref[...]
    qn = jnp.sum(q * q, axis=1, keepdims=True)
    for c0 in range(0, np_, cw):
        pc = p_ref[:, c0:c0 + cw]
        pn = jnp.sum(pc * pc, axis=0, keepdims=True)
        dot = jnp.dot(q, pc, preferred_element_type=jnp.float32)
        scratch[:, c0:c0 + cw] = qn + pn - 2.0 * dot
    iota = lax.broadcasted_iota(jnp.int32, (qb, np_), 1)
    kio = lax.broadcasted_iota(jnp.int32, (qb, k), 1)

    def step(j, carry):
        acc_i, acc_d = carry
        d2 = scratch[...]
        m = jnp.min(d2, axis=1, keepdims=True)
        ji = jnp.min(jnp.where(d2 == m, iota, np_), axis=1, keepdims=True)
        scratch[...] = jnp.where(iota == ji, _BIG, d2)
        acc_i = jnp.where(kio == j, ji, acc_i)
        acc_d = jnp.where(kio == j, m, acc_d)
        return acc_i, acc_d

    init = (jnp.zeros((qb, k), jnp.int32), jnp.zeros((qb, k), jnp.float32))
    acc_i, acc_d = lax.fori_loop(0, k, step, init)
    idx_ref[...] = acc_i
    d2_ref[...] = acc_d


def _knn(qpad, pT, k, qb=256, cw=2048):
    Qp = qpad.shape[0]
    Np = pT.shape[1]
    body = functools.partial(_knn_body, k=k, np_=Np, qb=qb, cw=min(cw, Np))
    return pl.pallas_call(
        body,
        grid=(Qp // qb,),
        in_specs=[pl.BlockSpec((qb, 128), lambda i: (i, 0)),
                  pl.BlockSpec((128, Np), lambda i: (0, 0))],
        out_specs=[pl.BlockSpec((qb, k), lambda i: (i, 0)),
                   pl.BlockSpec((qb, k), lambda i: (i, 0))],
        out_shape=[jax.ShapeDtypeStruct((Qp, k), jnp.int32),
                   jax.ShapeDtypeStruct((Qp, k), jnp.float32)],
        scratch_shapes=[pltpu.VMEM((qb, Np), jnp.float32)],
    )(qpad, pT)


def _sc_gather(table, idx3):
    NW, nch, lw = idx3.shape
    D = table.shape[1]
    B = NW * nch * lw
    info = plsc.get_sparse_core_info()
    NC = info.num_cores
    mesh = plsc.VectorSubcoreMesh(core_axis_name="c", subcore_axis_name="s")

    @functools.partial(
        pl.kernel, mesh=mesh,
        compiler_params=pltpu.CompilerParams(use_tc_tiling_on_sc=False),
        out_type=jax.ShapeDtypeStruct((B, D), jnp.float32),
        scratch_types=[pltpu.VMEM((nch, lw), jnp.int32),
                       pltpu.VMEM((lw, D), jnp.float32),
                       pltpu.VMEM((lw, D), jnp.float32),
                       pltpu.SemaphoreType.DMA,
                       pltpu.SemaphoreType.DMA],
    )
    def gather_k(table_hbm, idx_hbm, out_hbm, idx_v, buf0, buf1, sem0, sem1):
        wid = lax.axis_index("s") * NC + lax.axis_index("c")
        pltpu.sync_copy(idx_hbm.at[wid], idx_v)
        base = wid * (nch * lw)

        def chunk(c, carry):
            pltpu.async_copy(table_hbm.at[idx_v.at[c]], buf0, sem0).wait()
            pltpu.sync_copy(buf0, out_hbm.at[pl.ds(base + c * lw, lw)])
            return carry

        lax.fori_loop(0, nch, chunk, 0)

    return gather_k(table, idx3)


def _gno_body(q_ref, g_ref, d2_ref, d2f_ref, *refs, k, qb, cfeat, r2, nrest):
    wq_ref, wp_ref, b1_ref = refs[0], refs[1], refs[2]
    rest = refs[3:3 + 2 * nrest]
    s_ref, ew1_ref, eb1_ref, ew2_ref, eb2_ref, out_ref = refs[3 + 2 * nrest:]
    q = q_ref[...]
    g = g_ref[...]
    h1 = wq_ref.shape[1]
    qpart = jnp.dot(q, wq_ref[...], preferred_element_type=jnp.float32)
    h = jnp.dot(g, wp_ref[...], preferred_element_type=jnp.float32)
    h = h + jnp.broadcast_to(qpart[:, None, :], (qb, k, h1)).reshape(qb * k, h1)
    h = _gelu(h + b1_ref[...])
    for i in range(nrest):
        w, b = rest[2 * i][...], rest[2 * i + 1][...]
        h = jnp.dot(h, w, preferred_element_type=jnp.float32) + b
        if i < nrest - 1:
            h = _gelu(h)
    feats = g[:, 3:3 + cfeat]
    maskf = (d2f_ref[...] <= r2).astype(jnp.float32)
    rep = h * feats * maskf
    acc = jnp.dot(s_ref[...], rep, preferred_element_type=jnp.float32)
    mask = (d2_ref[...] <= r2).astype(jnp.float32)
    denom = jnp.maximum(jnp.sum(mask, axis=1, keepdims=True), 1.0)
    o = acc / denom
    e = _gelu(jnp.dot(o, ew1_ref[...], preferred_element_type=jnp.float32)
              + eb1_ref[...])
    out_ref[...] = (jnp.dot(e, ew2_ref[...], preferred_element_type=jnp.float32)
                    + eb2_ref[...])


def _gno_mlp(qpad, g, d2s, mlp_p, epi_p, k, cfeat, qb=128):
    Qp = qpad.shape[0]
    Dpad = g.shape[1]
    Ws, bs = mlp_p["Ws"], mlp_p["bs"]
    w1 = Ws[0]
    h1 = w1.shape[1]
    wq = jnp.zeros((128, h1), jnp.float32).at[:3].set(w1[:3])
    wp = jnp.zeros((Dpad, h1), jnp.float32).at[:3].set(w1[3:6])
    ops = [qpad, g, d2s, d2s.reshape(-1, 1), wq, wp, bs[0].reshape(1, -1)]
    for w, b in zip(Ws[1:], bs[1:]):
        ops += [w, b.reshape(1, -1)]
    smat = jnp.asarray(np.repeat(np.eye(qb, dtype=np.float32), k, axis=1))
    eWs, ebs = epi_p["Ws"], epi_p["bs"]
    ops += [smat, eWs[0], ebs[0].reshape(1, -1), eWs[1], ebs[1].reshape(1, -1)]
    cout = eWs[1].shape[1]
    nrest = len(Ws) - 1

    in_specs = [pl.BlockSpec((qb, 128), lambda i: (i, 0)),
                pl.BlockSpec((qb * k, Dpad), lambda i: (i, 0)),
                pl.BlockSpec((qb, k), lambda i: (i, 0)),
                pl.BlockSpec((qb * k, 1), lambda i: (i, 0))]
    for op in ops[4:]:
        in_specs.append(pl.BlockSpec(op.shape, lambda i: (0, 0)))

    body = functools.partial(_gno_body, k=k, qb=qb, cfeat=cfeat,
                             r2=_RADIUS * _RADIUS, nrest=nrest)
    return pl.pallas_call(
        body,
        grid=(Qp // qb,),
        in_specs=in_specs,
        out_specs=pl.BlockSpec((qb, cout), lambda i: (i, 0)),
        out_shape=jax.ShapeDtypeStruct((Qp, cout), jnp.float32),
    )(*ops)


def _fno_body(h_ref, er_ref, ei_ref, ga_ref, gb_ref, wmr_ref, wmi_ref,
              sw_ref, sb_ref, out_ref, xrt_s, xit_s, accr_s, acci_s,
              *, nlayers, c):
    l = pl.program_id(0)
    h = jnp.where(l == 0, h_ref[...], out_ref[...])
    xr = jnp.dot(er_ref[...], h, preferred_element_type=jnp.float32)
    xi = jnp.dot(ei_ref[...], h, preferred_element_type=jnp.float32)
    xrt_s[...] = xr.T
    xit_s[...] = xi.T
    accr_s[...] = jnp.zeros((c, 256), jnp.float32)
    acci_s[...] = jnp.zeros((c, 256), jnp.float32)

    def mix(i, carry):
        a = xrt_s[pl.ds(i, 1), :]
        b = xit_s[pl.ds(i, 1), :]
        wr = wmr_ref[0, i]
        wi = wmi_ref[0, i]
        accr_s[...] = accr_s[...] + a * wr - b * wi
        acci_s[...] = acci_s[...] + a * wi + b * wr
        return carry

    lax.fori_loop(0, c, mix, 0)
    orr = accr_s[...].T
    oi = acci_s[...].T
    conv = (jnp.dot(ga_ref[...], orr, preferred_element_type=jnp.float32)
            + jnp.dot(gb_ref[...], oi, preferred_element_type=jnp.float32))
    skip = (jnp.dot(h, sw_ref[0], preferred_element_type=jnp.float32)
            + sb_ref[0])
    h = conv + skip
    out_ref[...] = jnp.where(l < nlayers - 1, _gelu(h), h)


def _fno(h, fno_params):
    c = _C_FNO
    nl = len(fno_params)
    wmr, wmi, sws, sbs = [], [], [], []
    for lp in fno_params:
        w4r = lp["wr"].reshape(2, 2, c, c, _MODES, _MODES, _MODES)
        w4i = lp["wi"].reshape(2, 2, c, c, _MODES, _MODES, _MODES)
        wmr.append(jnp.transpose(w4r, (2, 3, 0, 4, 1, 5, 6)).reshape(c, c, 256))
        wmi.append(jnp.transpose(w4i, (2, 3, 0, 4, 1, 5, 6)).reshape(c, c, 256))
        sws.append(lp["skip_W"])
        sbs.append(lp["skip_b"].reshape(1, c))
    wmr = jnp.stack(wmr)
    wmi = jnp.stack(wmi)
    sw = jnp.stack(sws)
    sb = jnp.stack(sbs)
    ops = [h, jnp.asarray(_ER_NP), jnp.asarray(_EI_NP),
           jnp.asarray(_GTA_NP), jnp.asarray(_GTB_NP), wmr, wmi, sw, sb]
    in_specs = [pl.BlockSpec(h.shape, lambda l: (0, 0)),
                pl.BlockSpec(_ER_NP.shape, lambda l: (0, 0)),
                pl.BlockSpec(_EI_NP.shape, lambda l: (0, 0)),
                pl.BlockSpec(_GTA_NP.shape, lambda l: (0, 0)),
                pl.BlockSpec(_GTB_NP.shape, lambda l: (0, 0)),
                pl.BlockSpec((1, c, c, 256), lambda l: (l, 0, 0, 0)),
                pl.BlockSpec((1, c, c, 256), lambda l: (l, 0, 0, 0)),
                pl.BlockSpec((1, c, c), lambda l: (l, 0, 0)),
                pl.BlockSpec((1, 1, c), lambda l: (l, 0, 0))]
    body = functools.partial(_fno_body, nlayers=nl, c=c)
    return pl.pallas_call(
        body,
        grid=(nl,),
        in_specs=in_specs,
        out_specs=pl.BlockSpec((_NLAT, c), lambda l: (0, 0)),
        out_shape=jax.ShapeDtypeStruct((_NLAT, c), jnp.float32),
        scratch_shapes=[pltpu.VMEM((c, 256), jnp.float32)] * 4,
    )(*ops)


def _pad_cols(a, w=128):
    return jnp.pad(a, ((0, 0), (0, w - a.shape[1])))


def _pad_pT(p, np_pad):
    n = p.shape[0]
    pT = jnp.full((3, np_pad), 100.0, jnp.float32).at[:, :n].set(p.T)
    return jnp.pad(pT, ((0, 125), (0, 0)))


def _table(coords, feats, dpad):
    t = jnp.concatenate([coords, feats], axis=1)
    return jnp.pad(t, ((0, 0), (0, dpad - t.shape[1])))


def kernel(input_geom, latent_queries, output_queries, x, params):
    lat = latent_queries.reshape(-1, 3)

    q1 = _pad_cols(lat)
    pT1 = _pad_pT(input_geom, 10240)
    idx1, d21 = _knn(q1, pT1, _K_IN)
    nq = output_queries.shape[0]
    q2 = _pad_cols(jnp.pad(output_queries, ((0, 10240 - nq), (0, 0))))
    pT2 = _pad_pT(lat, _NLAT)
    idx2, d22 = _knn(q2, pT2, _K_OUT)

    t1 = _table(input_geom, x, 144)
    g1 = _sc_gather(t1, idx1.reshape(32, -1, 128))
    h = _gno_mlp(q1, g1, d21, params["in_gno"], params["lifting"],
                 _K_IN, 128)

    lat_feats = _fno(h, params["fno"])

    t2 = _table(lat, lat_feats, 80)
    g2 = _sc_gather(t2, idx2.reshape(32, -1, 128))
    out = _gno_mlp(q2, g2, d22, params["out_gno"], params["projection"],
                   _K_OUT, 64)
    return out[:nq]

# --- scband reference (transcript-rebuilt; emitter-appended) ---
"""Pipeline reference for scband-gino-19748259627270 (READ-ONLY COPY).

The authoritative reference and input builder live on the scoring server;
editing this copy changes nothing except your own understanding.
"""

import jax, jax.numpy as jnp
import numpy as np

K_IN = 32
K_OUT = 16
RADIUS = 0.2
MODES = 4


def _mlp_params(key, dims):
    Ws, bs = [], []
    for i in range(len(dims) - 1):
        key, k1 = jax.random.split(key)
        Ws.append(jax.random.normal(k1, (dims[i], dims[i + 1]), jnp.float32) / np.sqrt(dims[i]))
        bs.append(jnp.zeros((dims[i + 1],), jnp.float32))
    return {"Ws": Ws, "bs": bs}


def setup_inputs(seed: int = 0):
    key = jax.random.key(seed)
    ks = jax.random.split(key, 16)
    input_geom = jax.random.uniform(ks[0], (10000, 3), jnp.float32)
    latent_queries = jax.random.uniform(ks[1], (16, 16, 16, 3), jnp.float32)
    output_queries = jax.random.uniform(ks[2], (10000, 3), jnp.float32)
    x = jax.random.normal(ks[3], (10000, 128), jnp.float32)
    C = 64
    params = {
        "in_gno": _mlp_params(ks[4], [6, 80, 80, 80, 128]),
        "out_gno": _mlp_params(ks[5], [6, 512, 256, 64]),
        "lifting": _mlp_params(ks[6], [128, 256, 64]),
        "projection": _mlp_params(ks[7], [64, 256, 128]),
        "fno": [],
    }
    for l in range(4):
        kl = jax.random.fold_in(ks[8], l)
        k1, k2, k3 = jax.random.split(kl, 3)
        params["fno"].append({
            "wr": jax.random.normal(k1, (4, C, C, MODES, MODES, MODES), jnp.float32) / C,
            "wi": jax.random.normal(k2, (4, C, C, MODES, MODES, MODES), jnp.float32) / C,
            "skip_W": jax.random.normal(k3, (C, C), jnp.float32) / np.sqrt(C),
            "skip_b": jnp.zeros((C,), jnp.float32),
        })
    return {"input_geom": input_geom, "latent_queries": latent_queries,
            "output_queries": output_queries, "x": x, "params": params}


def _mlp(h, p, act=jax.nn.gelu):
    n = len(p["Ws"])
    for i in range(n):
        h = h @ p["Ws"][i] + p["bs"][i]
        if i < n - 1:
            h = act(h)
    return h


def _neighbors(q, p, k, radius):
    # squared distances via matmul to keep peak memory at [Q, N]
    d2 = jnp.sum(q * q, axis=1)[:, None] + jnp.sum(p * p, axis=1)[None, :] - 2.0 * (q @ p.T)
    neg_d2, idx = jax.lax.top_k(-d2, k)
    mask = ((-neg_d2) <= radius * radius).astype(jnp.float32)
    return idx, mask


def _integral_transform(q_coords, p_coords, p_feats, k, radius, mlp_p):
    # radius neighbor search approximated by kNN + radius mask (pure-JAX fallback)
    idx, mask = _neighbors(q_coords, p_coords, k, radius)
    nbr = p_coords[idx]  # gather [Q, k, 3]
    agg = jnp.concatenate([jnp.broadcast_to(q_coords[:, None, :], nbr.shape), nbr], axis=-1)
    kern = _mlp(agg, mlp_p)  # kernel k(y, x) [Q, k, C]
    rep = kern * p_feats[idx]  # 'linear' transform: k(y,x) * f(x)
    rep = rep * mask[..., None]
    denom = jnp.maximum(jnp.sum(mask, axis=1), 1.0)
    return jnp.sum(rep, axis=1) / denom[:, None]  # mean reduction over neighborhood


def _spectral_conv(xf, wr, wi, m):
    B, C, S1, S2, S3 = xf.shape
    x_ft = jnp.fft.rfftn(xf, axes=(2, 3, 4))
    w = wr + 1j * wi
    out_ft = jnp.zeros((B, wr.shape[2], S1, S2, S3 // 2 + 1), dtype=x_ft.dtype)
    corners = [(slice(0, m), slice(0, m)), (slice(0, m), slice(S2 - m, S2)),
               (slice(S1 - m, S1), slice(0, m)), (slice(S1 - m, S1), slice(S2 - m, S2))]
    for c, (s1, s2) in enumerate(corners):
        seg = x_ft[:, :, s1, s2, :m]
        out_ft = out_ft.at[:, :, s1, s2, :m].set(jnp.einsum("bixyz,ioxyz->boxyz", seg, w[c]))
    return jnp.fft.irfftn(out_ft, s=(S1, S2, S3), axes=(2, 3, 4))


def _forward(input_geom, latent_queries, output_queries, x, params):
    gs = latent_queries.shape[:3]
    lat_flat = latent_queries.reshape(-1, 3)
    # input GNO: point cloud -> latent grid
    in_rep = _integral_transform(lat_flat, input_geom, x, K_IN, RADIUS, params["in_gno"])
    # FNO lifting
    h = _mlp(in_rep, params["lifting"])  # [Q, 64]
    hf = h.reshape(1, gs[0], gs[1], gs[2], -1).transpose(0, 4, 1, 2, 3)
    n_layers = len(params["fno"])
    for l, lp in enumerate(params["fno"]):
        conv = _spectral_conv(hf, lp["wr"], lp["wi"], MODES)
        skip = jnp.einsum("bixyz,io->boxyz", hf, lp["skip_W"]) + lp["skip_b"][None, :, None, None, None]
        hf = conv + skip
        if l < n_layers - 1:
            hf = jax.nn.gelu(hf)
    lat_feats = hf.transpose(0, 2, 3, 4, 1).reshape(-1, hf.shape[1])
    # output GNO: latent grid -> output query points
    out_rep = _integral_transform(output_queries, lat_flat, lat_feats, K_OUT, RADIUS, params["out_gno"])
    return _mlp(out_rep, params["projection"])


def reference(input_geom, latent_queries, output_queries, x, params):
    return _forward(input_geom, latent_queries, output_queries, x, params)

if __name__ == "__main__":
    import jax
    _d = setup_inputs()
    print(jax.jit(kernel)(*tuple(_d.values())))

</pallas_src>

<mosaic_0001>
#map = affine_map<(d0, d1) -> (0, 0)>
#map1 = affine_map<(d0, d1) -> (0, 0, 0)>
module attributes {stable_mosaic.version = 14 : i64} {
  func.func @gather_k(%arg0: i32, %arg1: i32, %arg2: memref<10000x144xf32, #tpu.memory_space<hbm>>, %arg3: memref<32x32x128xi32, #tpu.memory_space<hbm>>, %arg4: memref<131072x144xf32, #tpu.memory_space<hbm>>, %arg5: memref<32x128xi32, #tpu.memory_space<vmem>>, %arg6: memref<128x144xf32, #tpu.memory_space<vmem>>, %arg7: memref<128x144xf32, #tpu.memory_space<vmem>>, %arg8: memref<!tpu.dma_semaphore, #tpu.memory_space<semaphore_mem>>, %arg9: memref<!tpu.dma_semaphore, #tpu.memory_space<semaphore_mem>>) attributes {dimension_semantics = [#tpu.dimension_semantics<core_parallel>, #tpu.dimension_semantics<subcore_parallel>], iteration_bounds = array<i64: 2, 16>, scalar_prefetch = 0 : i64, scratch_operands = 5 : i64, tpu.core_type = #tpu.core_type<sc_vector_subcore>, window_params = [{transform_indices = #map}, {transform_indices = #map1}, {transform_indices = #map}]} {
    %mul3A = arith.constant 2 : i32
    %mul3A_0 = arith.muli %arg1, %mul3A : i32
    %add3A = arith.addi %mul3A_0, %arg0 : i32
    "tpu.region"() ({
      %run_scoped3A = tpu.sem_alloc : memref<!tpu.dma_semaphore, #tpu.memory_space<semaphore_mem>>
      %dma_start3A = arith.constant 0 : i32
      %dma_start3A_8 = arith.constant 0 : i32
      %dma_start3A_9 = tpu.memref_slice %arg3[%add3A, %dma_start3A, %dma_start3A_8] : memref<32x32x128xi32, #tpu.memory_space<hbm>> -> memref<1x32x128xi32, #tpu.memory_space<hbm>>
      %dma_start3A_10 = tpu.memref_squeeze %dma_start3A_9 : memref<1x32x128xi32, #tpu.memory_space<hbm>> -> memref<32x128xi32, #tpu.memory_space<hbm>>
      %dma_start3A_11 = arith.constant 0 : i32
      %dma_start3A_12 = arith.constant 0 : i32
      %dma_start3A_13 = tpu.memref_slice %arg3[%add3A, %dma_start3A_11, %dma_start3A_12] : memref<32x32x128xi32, #tpu.memory_space<hbm>> -> memref<1x32x128xi32, #tpu.memory_space<hbm>>
      %dma_start3A_14 = tpu.memref_squeeze %dma_start3A_13 : memref<1x32x128xi32, #tpu.memory_space<hbm>> -> memref<32x128xi32, #tpu.memory_space<hbm>>
      tpu.enqueue_dma source(%dma_start3A_14 : memref<32x128xi32, #tpu.memory_space<hbm>>) target(%arg5 : memref<32x128xi32, #tpu.memory_space<vmem>>) target_semaphore(%run_scoped3A : memref<!tpu.dma_semaphore, #tpu.memory_space<semaphore_mem>>)
      %dma_wait3A = arith.constant 0 : i32
      %dma_wait3A_15 = arith.constant 0 : i32
      %dma_wait3A_16 = tpu.memref_slice %arg3[%add3A, %dma_wait3A, %dma_wait3A_15] : memref<32x32x128xi32, #tpu.memory_space<hbm>> -> memref<1x32x128xi32, #tpu.memory_space<hbm>>
      %dma_wait3A_17 = tpu.memref_squeeze %dma_wait3A_16 : memref<1x32x128xi32, #tpu.memory_space<hbm>> -> memref<32x128xi32, #tpu.memory_space<hbm>>
      %dma_wait3A_18 = arith.constant 0 : i32
      %dma_wait3A_19 = arith.constant 0 : i32
      %dma_wait3A_20 = tpu.memref_slice %arg3[%add3A, %dma_wait3A_18, %dma_wait3A_19] : memref<32x32x128xi32, #tpu.memory_space<hbm>> -> memref<1x32x128xi32, #tpu.memory_space<hbm>>
      %dma_wait3A_21 = tpu.memref_squeeze %dma_wait3A_20 : memref<1x32x128xi32, #tpu.memory_space<hbm>> -> memref<32x128xi32, #tpu.memory_space<hbm>>
      tpu.wait_dma2 semaphore(%run_scoped3A : memref<!tpu.dma_semaphore, #tpu.memory_space<semaphore_mem>>) src(%dma_wait3A_21 : memref<32x128xi32, #tpu.memory_space<hbm>>) dst(%arg5 : memref<32x128xi32, #tpu.memory_space<vmem>>)
      tpu.yield
    }) : () -> ()
    %mul3A_1 = arith.constant 4096 : i32
    %mul3A_2 = arith.muli %add3A, %mul3A_1 : i32
    %scan3A = arith.constant 0 : i32
    %scan3A_3 = arith.constant 0 : i32
    %scan3A_4 = arith.constant 32 : i32
    %scan3A_5 = arith.addi %scan3A_3, %scan3A_4 : i32
    %scan3A_6 = arith.constant 1 : i32
    scf.for %scan3A_8 = %scan3A_3 to %scan3A_5 step %scan3A_6  : i32 {
      %dma_start3A = arith.constant 0 : i32
      %dma_start3A_9 = tpu.memref_slice %arg5[%scan3A_8, %dma_start3A] : memref<32x128xi32, #tpu.memory_space<vmem>> -> memref<1x128xi32, #tpu.memory_space<vmem>>
      %dma_start3A_10 = tpu.memref_squeeze %dma_start3A_9 : memref<1x128xi32, #tpu.memory_space<vmem>> -> memref<128xi32, #tpu.memory_space<vmem>>
      %dma_start3A_11 = arith.constant 0 : i32
      %dma_start3A_12 = arith.constant 0 : i32
      %dma_start3A_13 = tpu.memref_slice %arg2[%dma_start3A_11, %dma_start3A_12] : memref<10000x144xf32, #tpu.memory_space<hbm>> -> memref<10000x144xf32, #tpu.memory_space<hbm>>
      tpu.enqueue_indirect_dma source(%dma_start3A_13 : memref<10000x144xf32, #tpu.memory_space<hbm>>) target(%arg6 : memref<128x144xf32, #tpu.memory_space<vmem>>) offsets(%dma_start3A_10 : memref<128xi32, #tpu.memory_space<vmem>>) semaphore(%arg8 : memref<!tpu.dma_semaphore, #tpu.memory_space<semaphore_mem>>)
      %dma_wait3A = arith.constant 0 : i32
      %dma_wait3A_14 = tpu.memref_slice %arg5[%scan3A_8, %dma_wait3A] : memref<32x128xi32, #tpu.memory_space<vmem>> -> memref<1x128xi32, #tpu.memory_space<vmem>>
      %dma_wait3A_15 = tpu.memref_squeeze %dma_wait3A_14 : memref<1x128xi32, #tpu.memory_space<vmem>> -> memref<128xi32, #tpu.memory_space<vmem>>
      %dma_wait3A_16 = arith.constant 0 : i32
      %dma_wait3A_17 = arith.constant 0 : i32
      %dma_wait3A_18 = tpu.memref_slice %arg2[%dma_wait3A_16, %dma_wait3A_17] : memref<10000x144xf32, #tpu.memory_space<hbm>> -> memref<10000x144xf32, #tpu.memory_space<hbm>>
      tpu.wait_indirect_dma semaphore(%arg8 : memref<!tpu.dma_semaphore, #tpu.memory_space<semaphore_mem>>) src(%dma_wait3A_18 : memref<10000x144xf32, #tpu.memory_space<hbm>>) dst(%arg6 : memref<128x144xf32, #tpu.memory_space<vmem>>)
      %mul3A_19 = arith.constant 128 : i32
      %mul3A_20 = arith.muli %scan3A_8, %mul3A_19 : i32
      %add3A_21 = arith.addi %mul3A_2, %mul3A_20 : i32
      "tpu.region"() ({
        %run_scoped3A = tpu.sem_alloc : memref<!tpu.dma_semaphore, #tpu.memory_space<semaphore_mem>>
        %dma_start3A_22 = arith.constant 0 : i32
        %dma_start3A_23 = tpu.memref_slice %arg4[%add3A_21, %dma_start3A_22] : memref<131072x144xf32, #tpu.memory_space<hbm>> -> memref<128x144xf32, #tpu.memory_space<hbm>>
        %dma_start3A_24 = arith.constant 0 : i32
        %dma_start3A_25 = tpu.memref_slice %arg4[%add3A_21, %dma_start3A_24] : memref<131072x144xf32, #tpu.memory_space<hbm>> -> memref<128x144xf32, #tpu.memory_space<hbm>>
        tpu.enqueue_dma source(%arg6 : memref<128x144xf32, #tpu.memory_space<vmem>>) target(%dma_start3A_25 : memref<128x144xf32, #tpu.memory_space<hbm>>) target_semaphore(%run_scoped3A : memref<!tpu.dma_semaphore, #tpu.memory_space<semaphore_mem>>)
        %dma_wait3A_26 = arith.constant 0 : i32
        %dma_wait3A_27 = tpu.memref_slice %arg4[%add3A_21, %dma_wait3A_26] : memref<131072x144xf32, #tpu.memory_space<hbm>> -> memref<128x144xf32, #tpu.memory_space<hbm>>
        %dma_wait3A_28 = arith.constant 0 : i32
        %dma_wait3A_29 = tpu.memref_slice %arg4[%add3A_21, %dma_wait3A_28] : memref<131072x144xf32, #tpu.memory_space<hbm>> -> memref<128x144xf32, #tpu.memory_space<hbm>>
        tpu.wait_dma2 semaphore(%run_scoped3A : memref<!tpu.dma_semaphore, #tpu.memory_space<semaphore_mem>>) src(%arg6 : memref<128x144xf32, #tpu.memory_space<vmem>>) dst(%dma_wait3A_29 : memref<128x144xf32, #tpu.memory_space<hbm>>)
        tpu.yield
      }) : () -> ()
    }
    %scan3A_7 = arith.constant 32 : i32
    return
  }
}

#map = affine_map<(d0, d1) -> (0, 0)>
#map1 = affine_map<(d0, d1) -> (0, 0, 0)>
module attributes {stable_mosaic.version = 14 : i64} {
  func.func @gather_k(%arg0: i32, %arg1: i32, %arg2: memref<4096x80xf32, #tpu.memory_space<hbm>>, %arg3: memref<32x40x128xi32, #tpu.memory_space<hbm>>, %arg4: memref<163840x80xf32, #tpu.memory_space<hbm>>, %arg5: memref<40x128xi32, #tpu.memory_space<vmem>>, %arg6: memref<128x80xf32, #tpu.memory_space<vmem>>, %arg7: memref<128x80xf32, #tpu.memory_space<vmem>>, %arg8: memref<!tpu.dma_semaphore, #tpu.memory_space<semaphore_mem>>, %arg9: memref<!tpu.dma_semaphore, #tpu.memory_space<semaphore_mem>>) attributes {dimension_semantics = [#tpu.dimension_semantics<core_parallel>, #tpu.dimension_semantics<subcore_parallel>], iteration_bounds = array<i64: 2, 16>, scalar_prefetch = 0 : i64, scratch_operands = 5 : i64, tpu.core_type = #tpu.core_type<sc_vector_subcore>, window_params = [{transform_indices = #map}, {transform_indices = #map1}, {transform_indices = #map}]} {
    %mul3A = arith.constant 2 : i32
    %mul3A_0 = arith.muli %arg1, %mul3A : i32
    %add3A = arith.addi %mul3A_0, %arg0 : i32
    "tpu.region"() ({
      %run_scoped3A = tpu.sem_alloc : memref<!tpu.dma_semaphore, #tpu.memory_space<semaphore_mem>>
      %dma_start3A = arith.constant 0 : i32
      %dma_start3A_8 = arith.constant 0 : i32
      %dma_start3A_9 = tpu.memref_slice %arg3[%add3A, %dma_start3A, %dma_start3A_8] : memref<32x40x128xi32, #tpu.memory_space<hbm>> -> memref<1x40x128xi32, #tpu.memory_space<hbm>>
      %dma_start3A_10 = tpu.memref_squeeze %dma_start3A_9 : memref<1x40x128xi32, #tpu.memory_space<hbm>> -> memref<40x128xi32, #tpu.memory_space<hbm>>
      %dma_start3A_11 = arith.constant 0 : i32
      %dma_start3A_12 = arith.constant 0 : i32
      %dma_start3A_13 = tpu.memref_slice %arg3[%add3A, %dma_start3A_11, %dma_start3A_12] : memref<32x40x128xi32, #tpu.memory_space<hbm>> -> memref<1x40x128xi32, #tpu.memory_space<hbm>>
      %dma_start3A_14 = tpu.memref_squeeze %dma_start3A_13 : memref<1x40x128xi32, #tpu.memory_space<hbm>> -> memref<40x128xi32, #tpu.memory_space<hbm>>
      tpu.enqueue_dma source(%dma_start3A_14 : memref<40x128xi32, #tpu.memory_space<hbm>>) target(%arg5 : memref<40x128xi32, #tpu.memory_space<vmem>>) target_semaphore(%run_scoped3A : memref<!tpu.dma_semaphore, #tpu.memory_space<semaphore_mem>>)
      %dma_wait3A = arith.constant 0 : i32
      %dma_wait3A_15 = arith.constant 0 : i32
      %dma_wait3A_16 = tpu.memref_slice %arg3[%add3A, %dma_wait3A, %dma_wait3A_15] : memref<32x40x128xi32, #tpu.memory_space<hbm>> -> memref<1x40x128xi32, #tpu.memory_space<hbm>>
      %dma_wait3A_17 = tpu.memref_squeeze %dma_wait3A_16 : memref<1x40x128xi32, #tpu.memory_space<hbm>> -> memref<40x128xi32, #tpu.memory_space<hbm>>
      %dma_wait3A_18 = arith.constant 0 : i32
      %dma_wait3A_19 = arith.constant 0 : i32
      %dma_wait3A_20 = tpu.memref_slice %arg3[%add3A, %dma_wait3A_18, %dma_wait3A_19] : memref<32x40x128xi32, #tpu.memory_space<hbm>> -> memref<1x40x128xi32, #tpu.memory_space<hbm>>
      %dma_wait3A_21 = tpu.memref_squeeze %dma_wait3A_20 : memref<1x40x128xi32, #tpu.memory_space<hbm>> -> memref<40x128xi32, #tpu.memory_space<hbm>>
      tpu.wait_dma2 semaphore(%run_scoped3A : memref<!tpu.dma_semaphore, #tpu.memory_space<semaphore_mem>>) src(%dma_wait3A_21 : memref<40x128xi32, #tpu.memory_space<hbm>>) dst(%arg5 : memref<40x128xi32, #tpu.memory_space<vmem>>)
      tpu.yield
    }) : () -> ()
    %mul3A_1 = arith.constant 5120 : i32
    %mul3A_2 = arith.muli %add3A, %mul3A_1 : i32
    %scan3A = arith.constant 0 : i32
    %scan3A_3 = arith.constant 0 : i32
    %scan3A_4 = arith.constant 40 : i32
    %scan3A_5 = arith.addi %scan3A_3, %scan3A_4 : i32
    %scan3A_6 = arith.constant 1 : i32
    scf.for %scan3A_8 = %scan3A_3 to %scan3A_5 step %scan3A_6  : i32 {
      %dma_start3A = arith.constant 0 : i32
      %dma_start3A_9 = tpu.memref_slice %arg5[%scan3A_8, %dma_start3A] : memref<40x128xi32, #tpu.memory_space<vmem>> -> memref<1x128xi32, #tpu.memory_space<vmem>>
      %dma_start3A_10 = tpu.memref_squeeze %dma_start3A_9 : memref<1x128xi32, #tpu.memory_space<vmem>> -> memref<128xi32, #tpu.memory_space<vmem>>
      %dma_start3A_11 = arith.constant 0 : i32
      %dma_start3A_12 = arith.constant 0 : i32
      %dma_start3A_13 = tpu.memref_slice %arg2[%dma_start3A_11, %dma_start3A_12] : memref<4096x80xf32, #tpu.memory_space<hbm>> -> memref<4096x80xf32, #tpu.memory_space<hbm>>
      tpu.enqueue_indirect_dma source(%dma_start3A_13 : memref<4096x80xf32, #tpu.memory_space<hbm>>) target(%arg6 : memref<128x80xf32, #tpu.memory_space<vmem>>) offsets(%dma_start3A_10 : memref<128xi32, #tpu.memory_space<vmem>>) semaphore(%arg8 : memref<!tpu.dma_semaphore, #tpu.memory_space<semaphore_mem>>)
      %dma_wait3A = arith.constant 0 : i32
      %dma_wait3A_14 = tpu.memref_slice %arg5[%scan3A_8, %dma_wait3A] : memref<40x128xi32, #tpu.memory_space<vmem>> -> memref<1x128xi32, #tpu.memory_space<vmem>>
      %dma_wait3A_15 = tpu.memref_squeeze %dma_wait3A_14 : memref<1x128xi32, #tpu.memory_space<vmem>> -> memref<128xi32, #tpu.memory_space<vmem>>
      %dma_wait3A_16 = arith.constant 0 : i32
      %dma_wait3A_17 = arith.constant 0 : i32
      %dma_wait3A_18 = tpu.memref_slice %arg2[%dma_wait3A_16, %dma_wait3A_17] : memref<4096x80xf32, #tpu.memory_space<hbm>> -> memref<4096x80xf32, #tpu.memory_space<hbm>>
      tpu.wait_indirect_dma semaphore(%arg8 : memref<!tpu.dma_semaphore, #tpu.memory_space<semaphore_mem>>) src(%dma_wait3A_18 : memref<4096x80xf32, #tpu.memory_space<hbm>>) dst(%arg6 : memref<128x80xf32, #tpu.memory_space<vmem>>)
      %mul3A_19 = arith.constant 128 : i32
      %mul3A_20 = arith.muli %scan3A_8, %mul3A_19 : i32
      %add3A_21 = arith.addi %mul3A_2, %mul3A_20 : i32
      "tpu.region"() ({
        %run_scoped3A = tpu.sem_alloc : memref<!tpu.dma_semaphore, #tpu.memory_space<semaphore_mem>>
        %dma_start3A_22 = arith.constant 0 : i32
        %dma_start3A_23 = tpu.memref_slice %arg4[%add3A_21, %dma_start3A_22] : memref<163840x80xf32, #tpu.memory_space<hbm>> -> memref<128x80xf32, #tpu.memory_space<hbm>>
        %dma_start3A_24 = arith.constant 0 : i32
        %dma_start3A_25 = tpu.memref_slice %arg4[%add3A_21, %dma_start3A_24] : memref<163840x80xf32, #tpu.memory_space<hbm>> -> memref<128x80xf32, #tpu.memory_space<hbm>>
        tpu.enqueue_dma source(%arg6 : memref<128x80xf32, #tpu.memory_space<vmem>>) target(%dma_start3A_25 : memref<128x80xf32, #tpu.memory_space<hbm>>) target_semaphore(%run_scoped3A : memref<!tpu.dma_semaphore, #tpu.memory_space<semaphore_mem>>)
        %dma_wait3A_26 = arith.constant 0 : i32
        %dma_wait3A_27 = tpu.memref_slice %arg4[%add3A_21, %dma_wait3A_26] : memref<163840x80xf32, #tpu.memory_space<hbm>> -> memref<128x80xf32, #tpu.memory_space<hbm>>
        %dma_wait3A_28 = arith.constant 0 : i32
        %dma_wait3A_29 = tpu.memref_slice %arg4[%add3A_21, %dma_wait3A_28] : memref<163840x80xf32, #tpu.memory_space<hbm>> -> memref<128x80xf32, #tpu.memory_space<hbm>>
        tpu.wait_dma2 semaphore(%run_scoped3A : memref<!tpu.dma_semaphore, #tpu.memory_space<semaphore_mem>>) src(%arg6 : memref<128x80xf32, #tpu.memory_space<vmem>>) dst(%dma_wait3A_29 : memref<128x80xf32, #tpu.memory_space<hbm>>)
        tpu.yield
      }) : () -> ()
    }
    %scan3A_7 = arith.constant 40 : i32
    return
  }
}

module attributes {stable_mosaic.version = 14 : i64} {
  func.func @_knn_body(%arg0: i32, %arg1: memref<256x128xf32, #tpu.memory_space<vmem>>, %arg2: memref<128x10240xf32, #tpu.memory_space<vmem>>, %arg3: memref<256x32xi32, #tpu.memory_space<vmem>>, %arg4: memref<256x32xf32, #tpu.memory_space<vmem>>, %arg5: memref<256x10240xf32, #tpu.memory_space<vmem>>) attributes {dimension_semantics = [#tpu.dimension_semantics<arbitrary>], iteration_bounds = array<i64: 16>, scalar_prefetch = 0 : i64, scratch_operands = 1 : i64, tpu.core_type = #tpu.core_type<tc>, window_params = [{transform_indices = @transform_0, window_bounds = array<i64: 256, 128>}, {pipeline_mode = #tpu.pipeline_mode<synchronous>, transform_indices = @transform_1, window_bounds = array<i64: 128, 10240>}, {transform_indices = @transform_2, window_bounds = array<i64: 256, 32>}, {transform_indices = @transform_3, window_bounds = array<i64: 256, 32>}]} {
    %get3A = arith.constant 0 : index
    %get3A_0 = arith.constant 0 : index
    %get3A_1 = vector.load %arg1[%get3A, %get3A_0] : memref<256x128xf32, #tpu.memory_space<vmem>>, vector<256x128xf32>
    %mul3A = arith.mulf %get3A_1, %get3A_1 : vector<256x128xf32>
    %reduce_sum3A = arith.constant dense<0.000000e+00> : vector<256xf32>
    %reduce_sum3A_2 = vector.multi_reduction <add>, %mul3A, %reduce_sum3A [1] : vector<256x128xf32> to vector<256xf32>
    %broadcast_in_dim3A = vector.shape_cast %reduce_sum3A_2 : vector<256xf32> to vector<256x1xf32>
    %get3A_3 = arith.constant 0 : index
    %get3A_4 = arith.constant 0 : index
    %get3A_5 = vector.load %arg2[%get3A_3, %get3A_4] : memref<128x10240xf32, #tpu.memory_space<vmem>>, vector<128x2048xf32>
    %mul3A_6 = arith.mulf %get3A_5, %get3A_5 : vector<128x2048xf32>
    %reduce_sum3A_7 = arith.constant dense<0.000000e+00> : vector<2048xf32>
    %reduce_sum3A_8 = vector.multi_reduction <add>, %mul3A_6, %reduce_sum3A_7 [0] : vector<128x2048xf32> to vector<2048xf32>
    %broadcast_in_dim3A_9 = vector.shape_cast %reduce_sum3A_8 : vector<2048xf32> to vector<1x2048xf32>
    %dot_general3A = arith.constant dense<0.000000e+00> : vector<256x2048xf32>
    %dot_general3A_10 = tpu.matmul %get3A_1, %get3A_5, %dot_general3A {dimension_numbers = #tpu.dot_dimension_numbers<[1], [0], [0], [1], [0, 0, 1, 1], [], []>, transpose_lhs_hint = false} : vector<256x128xf32>, vector<128x2048xf32>, vector<256x2048xf32> -> vector<256x2048xf32>
    %add3A = vector.broadcast %broadcast_in_dim3A : vector<256x1xf32> to vector<256x2048xf32>
    %add3A_11 = vector.broadcast %broadcast_in_dim3A_9 : vector<1x2048xf32> to vector<256x2048xf32>
    %add3A_12 = arith.addf %add3A, %add3A_11 : vector<256x2048xf32>
    %mul3A_13 = arith.constant 2.000000e+00 : f32
    %mul3A_14 = vector.broadcast %mul3A_13 : f32 to vector<256x2048xf32>
    %mul3A_15 = arith.mulf %mul3A_14, %dot_general3A_10 : vector<256x2048xf32>
    %sub3A = arith.subf %add3A_12, %mul3A_15 : vector<256x2048xf32>
    %swap3A = arith.constant 0 : index
    %swap3A_16 = arith.constant 0 : index
    %swap3A_17 = vector.load %arg5[%swap3A, %swap3A_16] : memref<256x10240xf32, #tpu.memory_space<vmem>>, vector<256x2048xf32>
    tpu.vector_store %arg5[%swap3A, %swap3A_16], %sub3A {strides = array<i32>} : memref<256x10240xf32, #tpu.memory_space<vmem>>, vector<256x2048xf32>,
    %get3A_18 = arith.constant 0 : index
    %get3A_19 = arith.constant 2048 : index
    %get3A_20 = vector.load %arg2[%get3A_18, %get3A_19] : memref<128x10240xf32, #tpu.memory_space<vmem>>, vector<128x2048xf32>
    %mul3A_21 = arith.mulf %get3A_20, %get3A_20 : vector<128x2048xf32>
    %reduce_sum3A_22 = arith.constant dense<0.000000e+00> : vector<2048xf32>
    %reduce_sum3A_23 = vector.multi_reduction <add>, %mul3A_21, %reduce_sum3A_22 [0] : vector<128x2048xf32> to vector<2048xf32>
    %broadcast_in_dim3A_24 = vector.shape_cast %reduce_sum3A_23 : vector<2048xf32> to vector<1x2048xf32>
    %dot_general3A_25 = arith.constant dense<0.000000e+00> : vector<256x2048xf32>
    %dot_general3A_26 = tpu.matmul %get3A_1, %get3A_20, %dot_general3A_25 {dimension_numbers = #tpu.dot_dimension_numbers<[1], [0], [0], [1], [0, 0, 1, 1], [], []>, transpose_lhs_hint = false} : vector<256x128xf32>, vector<128x2048xf32>, vector<256x2048xf32> -> vector<256x2048xf32>
    %add3A_27 = vector.broadcast %broadcast_in_dim3A : vector<256x1xf32> to vector<256x2048xf32>
    %add3A_28 = vector.broadcast %broadcast_in_dim3A_24 : vector<1x2048xf32> to vector<256x2048xf32>
    %add3A_29 = arith.addf %add3A_27, %add3A_28 : vector<256x2048xf32>
    %mul3A_30 = arith.constant 2.000000e+00 : f32
    %mul3A_31 = vector.broadcast %mul3A_30 : f32 to vector<256x2048xf32>
    %mul3A_32 = arith.mulf %mul3A_31, %dot_general3A_26 : vector<256x2048xf32>
    %sub3A_33 = arith.subf %add3A_29, %mul3A_32 : vector<256x2048xf32>
    %swap3A_34 = arith.constant 0 : index
    %swap3A_35 = arith.constant 2048 : index
    %swap3A_36 = vector.load %arg5[%swap3A_34, %swap3A_35] : memref<256x10240xf32, #tpu.memory_space<vmem>>, vector<256x2048xf32>
    tpu.vector_store %arg5[%swap3A_34, %swap3A_35], %sub3A_33 {strides = array<i32>} : memref<256x10240xf32, #tpu.memory_space<vmem>>, vector<256x2048xf32>,
    %get3A_37 = arith.constant 0 : index
    %get3A_38 = arith.constant 4096 : index
    %get3A_39 = vector.load %arg2[%get3A_37, %get3A_38] : memref<128x10240xf32, #tpu.memory_space<vmem>>, vector<128x2048xf32>
    %mul3A_40 = arith.mulf %get3A_39, %get3A_39 : vector<128x2048xf32>
    %reduce_sum3A_41 = arith.constant dense<0.000000e+00> : vector<2048xf32>
    %reduce_sum3A_42 = vector.multi_reduction <add>, %mul3A_40, %reduce_sum3A_41 [0] : vector<128x2048xf32> to vector<2048xf32>
    %broadcast_in_dim3A_43 = vector.shape_cast %reduce_sum3A_42 : vector<2048xf32> to vector<1x2048xf32>
    %dot_general3A_44 = arith.constant dense<0.000000e+00> : vector<256x2048xf32>
    %dot_general3A_45 = tpu.matmul %get3A_1, %get3A_39, %dot_general3A_44 {dimension_numbers = #tpu.dot_dimension_numbers<[1], [0], [0], [1], [0, 0, 1, 1], [], []>, transpose_lhs_hint = false} : vector<256x128xf32>, vector<128x2048xf32>, vector<256x2048xf32> -> vector<256x2048xf32>
    %add3A_46 = vector.broadcast %broadcast_in_dim3A : vector<256x1xf32> to vector<256x2048xf32>
    %add3A_47 = vector.broadcast %broadcast_in_dim3A_43 : vector<1x2048xf32> to vector<256x2048xf32>
    %add3A_48 = arith.addf %add3A_46, %add3A_47 : vector<256x2048xf32>
    %mul3A_49 = arith.constant 2.000000e+00 : f32
    %mul3A_50 = vector.broadcast %mul3A_49 : f32 to vector<256x2048xf32>
    %mul3A_51 = arith.mulf %mul3A_50, %dot_general3A_45 : vector<256x2048xf32>
    %sub3A_52 = arith.subf %add3A_48, %mul3A_51 : vector<256x2048xf32>
    %swap3A_53 = arith.constant 0 : index
    %swap3A_54 = arith.constant 4096 : index
    %swap3A_55 = vector.load %arg5[%swap3A_53, %swap3A_54] : memref<256x10240xf32, #tpu.memory_space<vmem>>, vector<256x2048xf32>
    tpu.vector_store %arg5[%swap3A_53, %swap3A_54], %sub3A_52 {strides = array<i32>} : memref<256x10240xf32, #tpu.memory_space<vmem>>, vector<256x2048xf32>,
    %get3A_56 = arith.constant 0 : index
    %get3A_57 = arith.constant 6144 : index
    %get3A_58 = vector.load %arg2[%get3A_56, %get3A_57] : memref<128x10240xf32, #tpu.memory_space<vmem>>, vector<128x2048xf32>
    %mul3A_59 = arith.mulf %get3A_58, %get3A_58 : vector<128x2048xf32>
    %reduce_sum3A_60 = arith.constant dense<0.000000e+00> : vector<2048xf32>
    %reduce_sum3A_61 = vector.multi_reduction <add>, %mul3A_59, %reduce_sum3A_60 [0] : vector<128x2048xf32> to vector<2048xf32>
    %broadcast_in_dim3A_62 = vector.shape_cast %reduce_sum3A_61 : vector<2048xf32> to vector<1x2048xf32>
    %dot_general3A_63 = arith.constant dense<0.000000e+00> : vector<256x2048xf32>
    %dot_general3A_64 = tpu.matmul %get3A_1, %get3A_58, %dot_general3A_63 {dimension_numbers = #tpu.dot_dimension_numbers<[1], [0], [0], [1], [0, 0, 1, 1], [], []>, transpose_lhs_hint = false} : vector<256x128xf32>, vector<128x2048xf32>, vector<256x2048xf32> -> vector<256x2048xf32>
    %add3A_65 = vector.broadcast %broadcast_in_dim3A : vector<256x1xf32> to vector<256x2048xf32>
    %add3A_66 = vector.broadcast %broadcast_in_dim3A_62 : vector<1x2048xf32> to vector<256x2048xf32>
    %add3A_67 = arith.addf %add3A_65, %add3A_66 : vector<256x2048xf32>
    %mul3A_68 = arith.constant 2.000000e+00 : f32
    %mul3A_69 = vector.broadcast %mul3A_68 : f32 to vector<256x2048xf32>
    %mul3A_70 = arith.mulf %mul3A_69, %dot_general3A_64 : vector<256x2048xf32>
    %sub3A_71 = arith.subf %add3A_67, %mul3A_70 : vector<256x2048xf32>
    %swap3A_72 = arith.constant 0 : index
    %swap3A_73 = arith.constant 6144 : index
    %swap3A_74 = vector.load %arg5[%swap3A_72, %swap3A_73] : memref<256x10240xf32, #tpu.memory_space<vmem>>, vector<256x2048xf32>
    tpu.vector_store %arg5[%swap3A_72, %swap3A_73], %sub3A_71 {strides = array<i32>} : memref<256x10240xf32, #tpu.memory_space<vmem>>, vector<256x2048xf32>,
    %get3A_75 = arith.constant 0 : index
    %get3A_76 = arith.constant 8192 : index
    %get3A_77 = vector.load %arg2[%get3A_75, %get3A_76] : memref<128x10240xf32, #tpu.memory_space<vmem>>, vector<128x2048xf32>
    %mul3A_78 = arith.mulf %get3A_77, %get3A_77 : vector<128x2048xf32>
    %reduce_sum3A_79 = arith.constant dense<0.000000e+00> : vector<2048xf32>
    %reduce_sum3A_80 = vector.multi_reduction <add>, %mul3A_78, %reduce_sum3A_79 [0] : vector<128x2048xf32> to vector<2048xf32>
    %broadcast_in_dim3A_81 = vector.shape_cast %reduce_sum3A_80 : vector<2048xf32> to vector<1x2048xf32>
    %dot_general3A_82 = arith.constant dense<0.000000e+00> : vector<256x2048xf32>
    %dot_general3A_83 = tpu.matmul %get3A_1, %get3A_77, %dot_general3A_82 {dimension_numbers = #tpu.dot_dimension_numbers<[1], [0], [0], [1], [0, 0, 1, 1], [], []>, transpose_lhs_hint = false} : vector<256x128xf32>, vector<128x2048xf32>, vector<256x2048xf32> -> vector<256x2048xf32>
    %add3A_84 = vector.broadcast %broadcast_in_dim3A : vector<256x1xf32> to vector<256x2048xf32>
    %add3A_85 = vector.broadcast %broadcast_in_dim3A_81 : vector<1x2048xf32> to vector<256x2048xf32>
    %add3A_86 = arith.addf %add3A_84, %add3A_85 : vector<256x2048xf32>
    %mul3A_87 = arith.constant 2.000000e+00 : f32
    %mul3A_88 = vector.broadcast %mul3A_87 : f32 to vector<256x2048xf32>
    %mul3A_89 = arith.mulf %mul3A_88, %dot_general3A_83 : vector<256x2048xf32>
    %sub3A_90 = arith.subf %add3A_86, %mul3A_89 : vector<256x2048xf32>
    %swap3A_91 = arith.constant 0 : index
    %swap3A_92 = arith.constant 8192 : index
    %swap3A_93 = vector.load %arg5[%swap3A_91, %swap3A_92] : memref<256x10240xf32, #tpu.memory_space<vmem>>, vector<256x2048xf32>
    tpu.vector_store %arg5[%swap3A_91, %swap3A_92], %sub3A_90 {strides = array<i32>} : memref<256x10240xf32, #tpu.memory_space<vmem>>, vector<256x2048xf32>,
    %iota3A = tpu.iota {dimensions = array<i32: 1>} : vector<256x10240xi32>
    %iota3A_94 = tpu.iota {dimensions = array<i32: 1>} : vector<256x32xi32>
    %broadcast_in_dim3A_95 = arith.constant 0 : i32
    %broadcast_in_dim3A_96 = vector.broadcast %broadcast_in_dim3A_95 : i32 to vector<256x32xi32>
    %broadcast_in_dim3A_97 = arith.constant 0.000000e+00 : f32
    %broadcast_in_dim3A_98 = vector.broadcast %broadcast_in_dim3A_97 : f32 to vector<256x32xf32>
    %scan3A = arith.constant 0 : i32
    %scan3A_99 = arith.constant 32 : i32
    %scan3A_100 = arith.addi %scan3A, %scan3A_99 : i32
    %scan3A_101 = arith.constant 1 : i32
    %scan3A_102:2 = scf.for %scan3A_110 = %scan3A to %scan3A_100 step %scan3A_101 iter_args(%scan3A_111 = %broadcast_in_dim3A_96, %scan3A_112 = %broadcast_in_dim3A_98) -> (vector<256x32xi32>, vector<256x32xf32>)  : i32 {
      %get3A_113 = arith.constant 0 : index
      %get3A_114 = arith.constant 0 : index
      %get3A_115 = vector.load %arg5[%get3A_113, %get3A_114] : memref<256x10240xf32, #tpu.memory_space<vmem>>, vector<256x10240xf32>
      %reduce_min3A = arith.constant dense<0x7F800000> : vector<256xf32>
      %reduce_min3A_116 = vector.multi_reduction <minimumf>, %get3A_115, %reduce_min3A [1] : vector<256x10240xf32> to vector<256xf32>
      %broadcast_in_dim3A_117 = vector.shape_cast %reduce_min3A_116 : vector<256xf32> to vector<256x1xf32>
      %eq3A = vector.broadcast %broadcast_in_dim3A_117 : vector<256x1xf32> to vector<256x10240xf32>
      %eq3A_118 = arith.cmpf oeq, %get3A_115, %eq3A : vector<256x10240xf32>
      %jit3A = arith.constant 10240 : i32
      %broadcast_in_dim3A_119 = vector.broadcast %jit3A : i32 to vector<256x10240xi32>
      %select_n3A = arith.select %eq3A_118, %iota3A, %broadcast_in_dim3A_119 : vector<256x10240xi1>, vector<256x10240xi32>
      %reduce_min3A_120 = arith.constant dense<2147483647> : vector<256xi32>
      %reduce_min3A_121 = vector.multi_reduction <minsi>, %select_n3A, %reduce_min3A_120 [1] : vector<256x10240xi32> to vector<256xi32>
      %broadcast_in_dim3A_122 = vector.shape_cast %reduce_min3A_121 : vector<256xi32> to vector<256x1xi32>
      %eq3A_123 = vector.broadcast %broadcast_in_dim3A_122 : vector<256x1xi32> to vector<256x10240xi32>
      %eq3A_124 = arith.cmpi eq, %iota3A, %eq3A_123 : vector<256x10240xi32>
      %jit3A_125 = arith.constant 3.000000e+38 : f32
      %broadcast_in_dim3A_126 = vector.broadcast %jit3A_125 : f32 to vector<256x10240xf32>
      %select_n3A_127 = arith.select %eq3A_124, %broadcast_in_dim3A_126, %get3A_115 : vector<256x10240xi1>, vector<256x10240xf32>
      %swap3A_128 = arith.constant 0 : index
      %swap3A_129 = arith.constant 0 : index
      %swap3A_130 = vector.load %arg5[%swap3A_128, %swap3A_129] : memref<256x10240xf32, #tpu.memory_space<vmem>>, vector<256x10240xf32>
      tpu.vector_store %arg5[%swap3A_128, %swap3A_129], %select_n3A_127 {strides = array<i32>} : memref<256x10240xf32, #tpu.memory_space<vmem>>, vector<256x10240xf32>,
      %eq3A_131 = vector.broadcast %scan3A_110 : i32 to vector<256x32xi32>
      %eq3A_132 = arith.cmpi eq, %iota3A_94, %eq3A_131 : vector<256x32xi32>
      %broadcast_in_dim3A_133 = vector.shape_cast %broadcast_in_dim3A_122 : vector<256x1xi32> to vector<256x1xi32>
      %broadcast_in_dim3A_134 = vector.broadcast %broadcast_in_dim3A_133 : vector<256x1xi32> to vector<256x32xi32>
      %select_n3A_135 = arith.select %eq3A_132, %broadcast_in_dim3A_134, %scan3A_111 : vector<256x32xi1>, vector<256x32xi32>
      %eq3A_136 = vector.broadcast %scan3A_110 : i32 to vector<256x32xi32>
      %eq3A_137 = arith.cmpi eq, %iota3A_94, %eq3A_136 : vector<256x32xi32>
      %broadcast_in_dim3A_138 = vector.shape_cast %broadcast_in_dim3A_117 : vector<256x1xf32> to vector<256x1xf32>
      %broadcast_in_dim3A_139 = vector.broadcast %broadcast_in_dim3A_138 : vector<256x1xf32> to vector<256x32xf32>
      %select_n3A_140 = arith.select %eq3A_137, %broadcast_in_dim3A_139, %scan3A_112 : vector<256x32xi1>, vector<256x32xf32>
      scf.yield %select_n3A_135, %select_n3A_140 : vector<256x32xi32>, vector<256x32xf32>
    }
    %scan3A_103 = arith.constant 32 : i32
    %swap3A_104 = arith.constant 0 : index
    %swap3A_105 = arith.constant 0 : index
    %swap3A_106 = vector.load %arg3[%swap3A_104, %swap3A_105] : memref<256x32xi32, #tpu.memory_space<vmem>>, vector<256x32xi32>
    tpu.vector_store %arg3[%swap3A_104, %swap3A_105], %scan3A_102#0 {strides = array<i32>} : memref<256x32xi32, #tpu.memory_space<vmem>>, vector<256x32xi32>,
    %swap3A_107 = arith.constant 0 : index
    %swap3A_108 = arith.constant 0 : index
    %swap3A_109 = vector.load %arg4[%swap3A_107, %swap3A_108] : memref<256x32xf32, #tpu.memory_space<vmem>>, vector<256x32xf32>
    tpu.vector_store %arg4[%swap3A_107, %swap3A_108], %scan3A_102#1 {strides = array<i32>} : memref<256x32xf32, #tpu.memory_space<vmem>>, vector<256x32xf32>,
    return
  }
  func.func @transform_0(%arg0: i32) -> (i32, i32) {
    %c0_i32 = arith.constant 0 : i32
    %c0_i32_0 = arith.constant 0 : i32
    return %arg0, %c0_i32 : i32, i32
  }
  func.func @transform_1(%arg0: i32) -> (i32, i32) {
    %c0_i32 = arith.constant 0 : i32
    %c0_i32_0 = arith.constant 0 : i32
    %c0_i32_1 = arith.constant 0 : i32
    return %c0_i32, %c0_i32_0 : i32, i32
  }
  func.func @transform_2(%arg0: i32) -> (i32, i32) {
    %c0_i32 = arith.constant 0 : i32
    %c0_i32_0 = arith.constant 0 : i32
    return %arg0, %c0_i32 : i32, i32
  }
  func.func @transform_3(%arg0: i32) -> (i32, i32) {
    %c0_i32 = arith.constant 0 : i32
    %c0_i32_0 = arith.constant 0 : i32
    return %arg0, %c0_i32 : i32, i32
  }
}

module attributes {stable_mosaic.version = 14 : i64} {
  func.func @_knn_body(%arg0: i32, %arg1: memref<256x128xf32, #tpu.memory_space<vmem>>, %arg2: memref<128x4096xf32, #tpu.memory_space<vmem>>, %arg3: memref<256x16xi32, #tpu.memory_space<vmem>>, %arg4: memref<256x16xf32, #tpu.memory_space<vmem>>, %arg5: memref<256x4096xf32, #tpu.memory_space<vmem>>) attributes {dimension_semantics = [#tpu.dimension_semantics<arbitrary>], iteration_bounds = array<i64: 40>, scalar_prefetch = 0 : i64, scratch_operands = 1 : i64, tpu.core_type = #tpu.core_type<tc>, window_params = [{transform_indices = @transform_0, window_bounds = array<i64: 256, 128>}, {pipeline_mode = #tpu.pipeline_mode<synchronous>, transform_indices = @transform_1, window_bounds = array<i64: 128, 4096>}, {transform_indices = @transform_2, window_bounds = array<i64: 256, 16>}, {transform_indices = @transform_3, window_bounds = array<i64: 256, 16>}]} {
    %get3A = arith.constant 0 : index
    %get3A_0 = arith.constant 0 : index
    %get3A_1 = vector.load %arg1[%get3A, %get3A_0] : memref<256x128xf32, #tpu.memory_space<vmem>>, vector<256x128xf32>
    %mul3A = arith.mulf %get3A_1, %get3A_1 : vector<256x128xf32>
    %reduce_sum3A = arith.constant dense<0.000000e+00> : vector<256xf32>
    %reduce_sum3A_2 = vector.multi_reduction <add>, %mul3A, %reduce_sum3A [1] : vector<256x128xf32> to vector<256xf32>
    %broadcast_in_dim3A = vector.shape_cast %reduce_sum3A_2 : vector<256xf32> to vector<256x1xf32>
    %get3A_3 = arith.constant 0 : index
    %get3A_4 = arith.constant 0 : index
    %get3A_5 = vector.load %arg2[%get3A_3, %get3A_4] : memref<128x4096xf32, #tpu.memory_space<vmem>>, vector<128x2048xf32>
    %mul3A_6 = arith.mulf %get3A_5, %get3A_5 : vector<128x2048xf32>
    %reduce_sum3A_7 = arith.constant dense<0.000000e+00> : vector<2048xf32>
    %reduce_sum3A_8 = vector.multi_reduction <add>, %mul3A_6, %reduce_sum3A_7 [0] : vector<128x2048xf32> to vector<2048xf32>
    %broadcast_in_dim3A_9 = vector.shape_cast %reduce_sum3A_8 : vector<2048xf32> to vector<1x2048xf32>
    %dot_general3A = arith.constant dense<0.000000e+00> : vector<256x2048xf32>
    %dot_general3A_10 = tpu.matmul %get3A_1, %get3A_5, %dot_general3A {dimension_numbers = #tpu.dot_dimension_numbers<[1], [0], [0], [1], [0, 0, 1, 1], [], []>, transpose_lhs_hint = false} : vector<256x128xf32>, vector<128x2048xf32>, vector<256x2048xf32> -> vector<256x2048xf32>
    %add3A = vector.broadcast %broadcast_in_dim3A : vector<256x1xf32> to vector<256x2048xf32>
    %add3A_11 = vector.broadcast %broadcast_in_dim3A_9 : vector<1x2048xf32> to vector<256x2048xf32>
    %add3A_12 = arith.addf %add3A, %add3A_11 : vector<256x2048xf32>
    %mul3A_13 = arith.constant 2.000000e+00 : f32
    %mul3A_14 = vector.broadcast %mul3A_13 : f32 to vector<256x2048xf32>
    %mul3A_15 = arith.mulf %mul3A_14, %dot_general3A_10 : vector<256x2048xf32>
    %sub3A = arith.subf %add3A_12, %mul3A_15 : vector<256x2048xf32>
    %swap3A = arith.constant 0 : index
    %swap3A_16 = arith.constant 0 : index
    %swap3A_17 = vector.load %arg5[%swap3A, %swap3A_16] : memref<256x4096xf32, #tpu.memory_space<vmem>>, vector<256x2048xf32>
    tpu.vector_store %arg5[%swap3A, %swap3A_16], %sub3A {strides = array<i32>} : memref<256x4096xf32, #tpu.memory_space<vmem>>, vector<256x2048xf32>,
    %get3A_18 = arith.constant 0 : index
    %get3A_19 = arith.constant 2048 : index
    %get3A_20 = vector.load %arg2[%get3A_18, %get3A_19] : memref<128x4096xf32, #tpu.memory_space<vmem>>, vector<128x2048xf32>
    %mul3A_21 = arith.mulf %get3A_20, %get3A_20 : vector<128x2048xf32>
    %reduce_sum3A_22 = arith.constant dense<0.000000e+00> : vector<2048xf32>
    %reduce_sum3A_23 = vector.multi_reduction <add>, %mul3A_21, %reduce_sum3A_22 [0] : vector<128x2048xf32> to vector<2048xf32>
    %broadcast_in_dim3A_24 = vector.shape_cast %reduce_sum3A_23 : vector<2048xf32> to vector<1x2048xf32>
    %dot_general3A_25 = arith.constant dense<0.000000e+00> : vector<256x2048xf32>
    %dot_general3A_26 = tpu.matmul %get3A_1, %get3A_20, %dot_general3A_25 {dimension_numbers = #tpu.dot_dimension_numbers<[1], [0], [0], [1], [0, 0, 1, 1], [], []>, transpose_lhs_hint = false} : vector<256x128xf32>, vector<128x2048xf32>, vector<256x2048xf32> -> vector<256x2048xf32>
    %add3A_27 = vector.broadcast %broadcast_in_dim3A : vector<256x1xf32> to vector<256x2048xf32>
    %add3A_28 = vector.broadcast %broadcast_in_dim3A_24 : vector<1x2048xf32> to vector<256x2048xf32>
    %add3A_29 = arith.addf %add3A_27, %add3A_28 : vector<256x2048xf32>
    %mul3A_30 = arith.constant 2.000000e+00 : f32
    %mul3A_31 = vector.broadcast %mul3A_30 : f32 to vector<256x2048xf32>
    %mul3A_32 = arith.mulf %mul3A_31, %dot_general3A_26 : vector<256x2048xf32>
    %sub3A_33 = arith.subf %add3A_29, %mul3A_32 : vector<256x2048xf32>
    %swap3A_34 = arith.constant 0 : index
    %swap3A_35 = arith.constant 2048 : index
    %swap3A_36 = vector.load %arg5[%swap3A_34, %swap3A_35] : memref<256x4096xf32, #tpu.memory_space<vmem>>, vector<256x2048xf32>
    tpu.vector_store %arg5[%swap3A_34, %swap3A_35], %sub3A_33 {strides = array<i32>} : memref<256x4096xf32, #tpu.memory_space<vmem>>, vector<256x2048xf32>,
    %iota3A = tpu.iota {dimensions = array<i32: 1>} : vector<256x4096xi32>
    %iota3A_37 = tpu.iota {dimensions = array<i32: 1>} : vector<256x16xi32>
    %broadcast_in_dim3A_38 = arith.constant 0 : i32
    %broadcast_in_dim3A_39 = vector.broadcast %broadcast_in_dim3A_38 : i32 to vector<256x16xi32>
    %broadcast_in_dim3A_40 = arith.constant 0.000000e+00 : f32
    %broadcast_in_dim3A_41 = vector.broadcast %broadcast_in_dim3A_40 : f32 to vector<256x16xf32>
    %scan3A = arith.constant 0 : i32
    %scan3A_42 = arith.constant 16 : i32
    %scan3A_43 = arith.addi %scan3A, %scan3A_42 : i32
    %scan3A_44 = arith.constant 1 : i32
    %scan3A_45:2 = scf.for %scan3A_53 = %scan3A to %scan3A_43 step %scan3A_44 iter_args(%scan3A_54 = %broadcast_in_dim3A_39, %scan3A_55 = %broadcast_in_dim3A_41) -> (vector<256x16xi32>, vector<256x16xf32>)  : i32 {
      %get3A_56 = arith.constant 0 : index
      %get3A_57 = arith.constant 0 : index
      %get3A_58 = vector.load %arg5[%get3A_56, %get3A_57] : memref<256x4096xf32, #tpu.memory_space<vmem>>, vector<256x4096xf32>
      %reduce_min3A = arith.constant dense<0x7F800000> : vector<256xf32>
      %reduce_min3A_59 = vector.multi_reduction <minimumf>, %get3A_58, %reduce_min3A [1] : vector<256x4096xf32> to vector<256xf32>
      %broadcast_in_dim3A_60 = vector.shape_cast %reduce_min3A_59 : vector<256xf32> to vector<256x1xf32>
      %eq3A = vector.broadcast %broadcast_in_dim3A_60 : vector<256x1xf32> to vector<256x4096xf32>
      %eq3A_61 = arith.cmpf oeq, %get3A_58, %eq3A : vector<256x4096xf32>
      %jit3A = arith.constant 4096 : i32
      %broadcast_in_dim3A_62 = vector.broadcast %jit3A : i32 to vector<256x4096xi32>
      %select_n3A = arith.select %eq3A_61, %iota3A, %broadcast_in_dim3A_62 : vector<256x4096xi1>, vector<256x4096xi32>
      %reduce_min3A_63 = arith.constant dense<2147483647> : vector<256xi32>
      %reduce_min3A_64 = vector.multi_reduction <minsi>, %select_n3A, %reduce_min3A_63 [1] : vector<256x4096xi32> to vector<256xi32>
      %broadcast_in_dim3A_65 = vector.shape_cast %reduce_min3A_64 : vector<256xi32> to vector<256x1xi32>
      %eq3A_66 = vector.broadcast %broadcast_in_dim3A_65 : vector<256x1xi32> to vector<256x4096xi32>
      %eq3A_67 = arith.cmpi eq, %iota3A, %eq3A_66 : vector<256x4096xi32>
      %jit3A_68 = arith.constant 3.000000e+38 : f32
      %broadcast_in_dim3A_69 = vector.broadcast %jit3A_68 : f32 to vector<256x4096xf32>
      %select_n3A_70 = arith.select %eq3A_67, %broadcast_in_dim3A_69, %get3A_58 : vector<256x4096xi1>, vector<256x4096xf32>
      %swap3A_71 = arith.constant 0 : index
      %swap3A_72 = arith.constant 0 : index
      %swap3A_73 = vector.load %arg5[%swap3A_71, %swap3A_72] : memref<256x4096xf32, #tpu.memory_space<vmem>>, vector<256x4096xf32>
      tpu.vector_store %arg5[%swap3A_71, %swap3A_72], %select_n3A_70 {strides = array<i32>} : memref<256x4096xf32, #tpu.memory_space<vmem>>, vector<256x4096xf32>,
      %eq3A_74 = vector.broadcast %scan3A_53 : i32 to vector<256x16xi32>
      %eq3A_75 = arith.cmpi eq, %iota3A_37, %eq3A_74 : vector<256x16xi32>
      %broadcast_in_dim3A_76 = vector.shape_cast %broadcast_in_dim3A_65 : vector<256x1xi32> to vector<256x1xi32>
      %broadcast_in_dim3A_77 = vector.broadcast %broadcast_in_dim3A_76 : vector<256x1xi32> to vector<256x16xi32>
      %select_n3A_78 = arith.select %eq3A_75, %broadcast_in_dim3A_77, %scan3A_54 : vector<256x16xi1>, vector<256x16xi32>
      %eq3A_79 = vector.broadcast %scan3A_53 : i32 to vector<256x16xi32>
      %eq3A_80 = arith.cmpi eq, %iota3A_37, %eq3A_79 : vector<256x16xi32>
      %broadcast_in_dim3A_81 = vector.shape_cast %broadcast_in_dim3A_60 : vector<256x1xf32> to vector<256x1xf32>
      %broadcast_in_dim3A_82 = vector.broadcast %broadcast_in_dim3A_81 : vector<256x1xf32> to vector<256x16xf32>
      %select_n3A_83 = arith.select %eq3A_80, %broadcast_in_dim3A_82, %scan3A_55 : vector<256x16xi1>, vector<256x16xf32>
      scf.yield %select_n3A_78, %select_n3A_83 : vector<256x16xi32>, vector<256x16xf32>
    }
    %scan3A_46 = arith.constant 16 : i32
    %swap3A_47 = arith.constant 0 : index
    %swap3A_48 = arith.constant 0 : index
    %swap3A_49 = vector.load %arg3[%swap3A_47, %swap3A_48] : memref<256x16xi32, #tpu.memory_space<vmem>>, vector<256x16xi32>
    tpu.vector_store %arg3[%swap3A_47, %swap3A_48], %scan3A_45#0 {strides = array<i32>} : memref<256x16xi32, #tpu.memory_space<vmem>>, vector<256x16xi32>,
    %swap3A_50 = arith.constant 0 : index
    %swap3A_51 = arith.constant 0 : index
    %swap3A_52 = vector.load %arg4[%swap3A_50, %swap3A_51] : memref<256x16xf32, #tpu.memory_space<vmem>>, vector<256x16xf32>
    tpu.vector_store %arg4[%swap3A_50, %swap3A_51], %scan3A_45#1 {strides = array<i32>} : memref<256x16xf32, #tpu.memory_space<vmem>>, vector<256x16xf32>,
    return
  }
  func.func @transform_0(%arg0: i32) -> (i32, i32) {
    %c0_i32 = arith.constant 0 : i32
    %c0_i32_0 = arith.constant 0 : i32
    return %arg0, %c0_i32 : i32, i32
  }
  func.func @transform_1(%arg0: i32) -> (i32, i32) {
    %c0_i32 = arith.constant 0 : i32
    %c0_i32_0 = arith.constant 0 : i32
    %c0_i32_1 = arith.constant 0 : i32
    return %c0_i32, %c0_i32_0 : i32, i32
  }
  func.func @transform_2(%arg0: i32) -> (i32, i32) {
    %c0_i32 = arith.constant 0 : i32
    %c0_i32_0 = arith.constant 0 : i32
    return %arg0, %c0_i32 : i32, i32
  }
  func.func @transform_3(%arg0: i32) -> (i32, i32) {
    %c0_i32 = arith.constant 0 : i32
    %c0_i32_0 = arith.constant 0 : i32
    return %arg0, %c0_i32 : i32, i32
  }
}

module attributes {stable_mosaic.version = 14 : i64} {
  func.func @_gno_body(%arg0: i32, %arg1: memref<128x128xf32, #tpu.memory_space<vmem>>, %arg2: memref<4096x144xf32, #tpu.memory_space<vmem>>, %arg3: memref<128x32xf32, #tpu.memory_space<vmem>>, %arg4: memref<4096x1xf32, #tpu.memory_space<vmem>>, %arg5: memref<128x80xf32, #tpu.memory_space<vmem>>, %arg6: memref<144x80xf32, #tpu.memory_space<vmem>>, %arg7: memref<1x80xf32, #tpu.memory_space<vmem>>, %arg8: memref<80x80xf32, #tpu.memory_space<vmem>>, %arg9: memref<1x80xf32, #tpu.memory_space<vmem>>, %arg10: memref<80x80xf32, #tpu.memory_space<vmem>>, %arg11: memref<1x80xf32, #tpu.memory_space<vmem>>, %arg12: memref<80x128xf32, #tpu.memory_space<vmem>>, %arg13: memref<1x128xf32, #tpu.memory_space<vmem>>, %arg14: memref<128x4096xf32, #tpu.memory_space<vmem>>, %arg15: memref<128x256xf32, #tpu.memory_space<vmem>>, %arg16: memref<1x256xf32, #tpu.memory_space<vmem>>, %arg17: memref<256x64xf32, #tpu.memory_space<vmem>>, %arg18: memref<1x64xf32, #tpu.memory_space<vmem>>, %arg19: memref<128x64xf32, #tpu.memory_space<vmem>>) attributes {dimension_semantics = [#tpu.dimension_semantics<arbitrary>], iteration_bounds = array<i64: 32>, scalar_prefetch = 0 : i64, scratch_operands = 0 : i64, tpu.core_type = #tpu.core_type<tc>, window_params = [{transform_indices = @transform_0, window_bounds = array<i64: 128, 128>}, {transform_indices = @transform_1, window_bounds = array<i64: 4096, 144>}, {transform_indices = @transform_2, window_bounds = array<i64: 128, 32>}, {transform_indices = @transform_3, window_bounds = array<i64: 4096, 1>}, {pipeline_mode = #tpu.pipeline_mode<synchronous>, transform_indices = @transform_4, window_bounds = array<i64: 128, 80>}, {pipeline_mode = #tpu.pipeline_mode<synchronous>, transform_indices = @transform_5, window_bounds = array<i64: 144, 80>}, {pipeline_mode = #tpu.pipeline_mode<synchronous>, transform_indices = @transform_6, window_bounds = array<i64: 1, 80>}, {pipeline_mode = #tpu.pipeline_mode<synchronous>, transform_indices = @transform_7, window_bounds = array<i64: 80, 80>}, {pipeline_mode = #tpu.pipeline_mode<synchronous>, transform_indices = @transform_8, window_bounds = array<i64: 1, 80>}, {pipeline_mode = #tpu.pipeline_mode<synchronous>, transform_indices = @transform_9, window_bounds = array<i64: 80, 80>}, {pipeline_mode = #tpu.pipeline_mode<synchronous>, transform_indices = @transform_10, window_bounds = array<i64: 1, 80>}, {pipeline_mode = #tpu.pipeline_mode<synchronous>, transform_indices = @transform_11, window_bounds = array<i64: 80, 128>}, {pipeline_mode = #tpu.pipeline_mode<synchronous>, transform_indices = @transform_12, window_bounds = array<i64: 1, 128>}, {pipeline_mode = #tpu.pipeline_mode<synchronous>, transform_indices = @transform_13, window_bounds = array<i64: 128, 4096>}, {pipeline_mode = #tpu.pipeline_mode<synchronous>, transform_indices = @transform_14, window_bounds = array<i64: 128, 256>}, {pipeline_mode = #tpu.pipeline_mode<synchronous>, transform_indices = @transform_15, window_bounds = array<i64: 1, 256>}, {pipeline_mode = #tpu.pipeline_mode<synchronous>, transform_indices = @transform_16, window_bounds = array<i64: 256, 64>}, {pipeline_mode = #tpu.pipeline_mode<synchronous>, transform_indices = @transform_17, window_bounds = array<i64: 1, 64>}, {transform_indices = @transform_18, window_bounds = array<i64: 128, 64>}]} {
    %get3A = arith.constant 0 : index
    %get3A_0 = arith.constant 0 : index
    %get3A_1 = vector.load %arg1[%get3A, %get3A_0] : memref<128x128xf32, #tpu.memory_space<vmem>>, vector<128x128xf32>
    %get3A_2 = arith.constant 0 : index
    %get3A_3 = arith.constant 0 : index
    %get3A_4 = vector.load %arg2[%get3A_2, %get3A_3] : memref<4096x144xf32, #tpu.memory_space<vmem>>, vector<4096x144xf32>
    %get3A_5 = arith.constant 0 : index
    %get3A_6 = arith.constant 0 : index
    %get3A_7 = vector.load %arg5[%get3A_5, %get3A_6] : memref<128x80xf32, #tpu.memory_space<vmem>>, vector<128x80xf32>
    %dot_general3A = arith.constant dense<0.000000e+00> : vector<128x80xf32>
    %dot_general3A_8 = tpu.matmul %get3A_1, %get3A_7, %dot_general3A {dimension_numbers = #tpu.dot_dimension_numbers<[1], [0], [0], [1], [0, 0, 1, 1], [], []>, transpose_lhs_hint = false} : vector<128x128xf32>, vector<128x80xf32>, vector<128x80xf32> -> vector<128x80xf32>
    %get3A_9 = arith.constant 0 : index
    %get3A_10 = arith.constant 0 : index
    %get3A_11 = vector.load %arg6[%get3A_9, %get3A_10] : memref<144x80xf32, #tpu.memory_space<vmem>>, vector<144x80xf32>
    %dot_general3A_12 = arith.constant dense<0.000000e+00> : vector<4096x80xf32>
    %dot_general3A_13 = tpu.matmul %get3A_4, %get3A_11, %dot_general3A_12 {dimension_numbers = #tpu.dot_dimension_numbers<[1], [0], [0], [1], [0, 0, 1, 1], [], []>, transpose_lhs_hint = false} : vector<4096x144xf32>, vector<144x80xf32>, vector<4096x80xf32> -> vector<4096x80xf32>
    %broadcast_in_dim3A = vector.shape_cast %dot_general3A_8 : vector<128x80xf32> to vector<128x1x80xf32>
    %broadcast_in_dim3A_14 = vector.shape_cast %broadcast_in_dim3A : vector<128x1x80xf32> to vector<128x1x80xf32>
    %broadcast_in_dim3A_15 = vector.broadcast %broadcast_in_dim3A_14 : vector<128x1x80xf32> to vector<128x32x80xf32>
    %reshape3A = vector.shape_cast %broadcast_in_dim3A_15 : vector<128x32x80xf32> to vector<4096x80xf32>
    %add3A = arith.addf %dot_general3A_13, %reshape3A : vector<4096x80xf32>
    %get3A_16 = arith.constant 0 : index
    %get3A_17 = arith.constant 0 : index
    %get3A_18 = vector.load %arg7[%get3A_16, %get3A_17] : memref<1x80xf32, #tpu.memory_space<vmem>>, vector<1x80xf32>
    %add3A_19 = vector.broadcast %get3A_18 : vector<1x80xf32> to vector<4096x80xf32>
    %add3A_20 = arith.addf %add3A, %add3A_19 : vector<4096x80xf32>
    %integer_pow3A = arith.mulf %add3A_20, %add3A_20 : vector<4096x80xf32>
    %integer_pow3A_21 = arith.mulf %add3A_20, %integer_pow3A : vector<4096x80xf32>
    %mul3A = arith.constant 4.471500e-02 : f32
    %mul3A_22 = vector.broadcast %mul3A : f32 to vector<4096x80xf32>
    %mul3A_23 = arith.mulf %mul3A_22, %integer_pow3A_21 : vector<4096x80xf32>
    %add3A_24 = arith.addf %add3A_20, %mul3A_23 : vector<4096x80xf32>
    %mul3A_25 = arith.constant 0.797884583 : f32
    %mul3A_26 = vector.broadcast %mul3A_25 : f32 to vector<4096x80xf32>
    %mul3A_27 = arith.mulf %mul3A_26, %add3A_24 : vector<4096x80xf32>
    %tanh3A = math.tanh %mul3A_27 : vector<4096x80xf32>
    %add3A_28 = arith.constant 1.000000e+00 : f32
    %add3A_29 = vector.broadcast %add3A_28 : f32 to vector<4096x80xf32>
    %add3A_30 = arith.addf %add3A_29, %tanh3A : vector<4096x80xf32>
    %mul3A_31 = arith.constant 5.000000e-01 : f32
    %mul3A_32 = vector.broadcast %mul3A_31 : f32 to vector<4096x80xf32>
    %mul3A_33 = arith.mulf %mul3A_32, %add3A_30 : vector<4096x80xf32>
    %mul3A_34 = arith.mulf %add3A_20, %mul3A_33 : vector<4096x80xf32>
    %get3A_35 = arith.constant 0 : index
    %get3A_36 = arith.constant 0 : index
    %get3A_37 = vector.load %arg8[%get3A_35, %get3A_36] : memref<80x80xf32, #tpu.memory_space<vmem>>, vector<80x80xf32>
    %get3A_38 = arith.constant 0 : index
    %get3A_39 = arith.constant 0 : index
    %get3A_40 = vector.load %arg9[%get3A_38, %get3A_39] : memref<1x80xf32, #tpu.memory_space<vmem>>, vector<1x80xf32>
    %dot_general3A_41 = arith.constant dense<0.000000e+00> : vector<4096x80xf32>
    %dot_general3A_42 = tpu.matmul %mul3A_34, %get3A_37, %dot_general3A_41 {dimension_numbers = #tpu.dot_dimension_numbers<[1], [0], [0], [1], [0, 0, 1, 1], [], []>, transpose_lhs_hint = false} : vector<4096x80xf32>, vector<80x80xf32>, vector<4096x80xf32> -> vector<4096x80xf32>
    %add3A_43 = vector.broadcast %get3A_40 : vector<1x80xf32> to vector<4096x80xf32>
    %add3A_44 = arith.addf %dot_general3A_42, %add3A_43 : vector<4096x80xf32>
    %integer_pow3A_45 = arith.mulf %add3A_44, %add3A_44 : vector<4096x80xf32>
    %integer_pow3A_46 = arith.mulf %add3A_44, %integer_pow3A_45 : vector<4096x80xf32>
    %mul3A_47 = arith.constant 4.471500e-02 : f32
    %mul3A_48 = vector.broadcast %mul3A_47 : f32 to vector<4096x80xf32>
    %mul3A_49 = arith.mulf %mul3A_48, %integer_pow3A_46 : vector<4096x80xf32>
    %add3A_50 = arith.addf %add3A_44, %mul3A_49 : vector<4096x80xf32>
    %mul3A_51 = arith.constant 0.797884583 : f32
    %mul3A_52 = vector.broadcast %mul3A_51 : f32 to vector<4096x80xf32>
    %mul3A_53 = arith.mulf %mul3A_52, %add3A_50 : vector<4096x80xf32>
    %tanh3A_54 = math.tanh %mul3A_53 : vector<4096x80xf32>
    %add3A_55 = arith.constant 1.000000e+00 : f32
    %add3A_56 = vector.broadcast %add3A_55 : f32 to vector<4096x80xf32>
    %add3A_57 = arith.addf %add3A_56, %tanh3A_54 : vector<4096x80xf32>
    %mul3A_58 = arith.constant 5.000000e-01 : f32
    %mul3A_59 = vector.broadcast %mul3A_58 : f32 to vector<4096x80xf32>
    %mul3A_60 = arith.mulf %mul3A_59, %add3A_57 : vector<4096x80xf32>
    %mul3A_61 = arith.mulf %add3A_44, %mul3A_60 : vector<4096x80xf32>
    %get3A_62 = arith.constant 0 : index
    %get3A_63 = arith.constant 0 : index
    %get3A_64 = vector.load %arg10[%get3A_62, %get3A_63] : memref<80x80xf32, #tpu.memory_space<vmem>>, vector<80x80xf32>
    %get3A_65 = arith.constant 0 : index
    %get3A_66 = arith.constant 0 : index
    %get3A_67 = vector.load %arg11[%get3A_65, %get3A_66] : memref<1x80xf32, #tpu.memory_space<vmem>>, vector<1x80xf32>
    %dot_general3A_68 = arith.constant dense<0.000000e+00> : vector<4096x80xf32>
    %dot_general3A_69 = tpu.matmul %mul3A_61, %get3A_64, %dot_general3A_68 {dimension_numbers = #tpu.dot_dimension_numbers<[1], [0], [0], [1], [0, 0, 1, 1], [], []>, transpose_lhs_hint = false} : vector<4096x80xf32>, vector<80x80xf32>, vector<4096x80xf32> -> vector<4096x80xf32>
    %add3A_70 = vector.broadcast %get3A_67 : vector<1x80xf32> to vector<4096x80xf32>
    %add3A_71 = arith.addf %dot_general3A_69, %add3A_70 : vector<4096x80xf32>
    %integer_pow3A_72 = arith.mulf %add3A_71, %add3A_71 : vector<4096x80xf32>
    %integer_pow3A_73 = arith.mulf %add3A_71, %integer_pow3A_72 : vector<4096x80xf32>
    %mul3A_74 = arith.constant 4.471500e-02 : f32
    %mul3A_75 = vector.broadcast %mul3A_74 : f32 to vector<4096x80xf32>
    %mul3A_76 = arith.mulf %mul3A_75, %integer_pow3A_73 : vector<4096x80xf32>
    %add3A_77 = arith.addf %add3A_71, %mul3A_76 : vector<4096x80xf32>
    %mul3A_78 = arith.constant 0.797884583 : f32
    %mul3A_79 = vector.broadcast %mul3A_78 : f32 to vector<4096x80xf32>
    %mul3A_80 = arith.mulf %mul3A_79, %add3A_77 : vector<4096x80xf32>
    %tanh3A_81 = math.tanh %mul3A_80 : vector<4096x80xf32>
    %add3A_82 = arith.constant 1.000000e+00 : f32
    %add3A_83 = vector.broadcast %add3A_82 : f32 to vector<4096x80xf32>
    %add3A_84 = arith.addf %add3A_83, %tanh3A_81 : vector<4096x80xf32>
    %mul3A_85 = arith.constant 5.000000e-01 : f32
    %mul3A_86 = vector.broadcast %mul3A_85 : f32 to vector<4096x80xf32>
    %mul3A_87 = arith.mulf %mul3A_86, %add3A_84 : vector<4096x80xf32>
    %mul3A_88 = arith.mulf %add3A_71, %mul3A_87 : vector<4096x80xf32>
    %get3A_89 = arith.constant 0 : index
    %get3A_90 = arith.constant 0 : index
    %get3A_91 = vector.load %arg12[%get3A_89, %get3A_90] : memref<80x128xf32, #tpu.memory_space<vmem>>, vector<80x128xf32>
    %get3A_92 = arith.constant 0 : index
    %get3A_93 = arith.constant 0 : index
    %get3A_94 = vector.load %arg13[%get3A_92, %get3A_93] : memref<1x128xf32, #tpu.memory_space<vmem>>, vector<1x128xf32>
    %dot_general3A_95 = arith.constant dense<0.000000e+00> : vector<4096x128xf32>
    %dot_general3A_96 = tpu.matmul %mul3A_88, %get3A_91, %dot_general3A_95 {dimension_numbers = #tpu.dot_dimension_numbers<[1], [0], [0], [1], [0, 0, 1, 1], [], []>, transpose_lhs_hint = false} : vector<4096x80xf32>, vector<80x128xf32>, vector<4096x128xf32> -> vector<4096x128xf32>
    %add3A_97 = vector.broadcast %get3A_94 : vector<1x128xf32> to vector<4096x128xf32>
    %add3A_98 = arith.addf %dot_general3A_96, %add3A_97 : vector<4096x128xf32>
    %slice3A = vector.extract_strided_slice %get3A_4 {offsets = [0, 3], sizes = [4096, 128], strides = [1, 1]} : vector<4096x144xf32> to vector<4096x128xf32>
    %get3A_99 = arith.constant 0 : index
    %get3A_100 = arith.constant 0 : index
    %get3A_101 = vector.load %arg4[%get3A_99, %get3A_100] : memref<4096x1xf32, #tpu.memory_space<vmem>>, vector<4096x1xf32>
    %le3A = arith.constant 4.000000e-02 : f32
    %le3A_102 = vector.broadcast %le3A : f32 to vector<4096x1xf32>
    %le3A_103 = arith.cmpf ole, %get3A_101, %le3A_102 : vector<4096x1xf32>
    %convert_element_type3A = arith.extui %le3A_103 : vector<4096x1xi1> to vector<4096x1xi32>
    %convert_element_type3A_104 = arith.sitofp %convert_element_type3A : vector<4096x1xi32> to vector<4096x1xf32>
    %mul3A_105 = arith.mulf %add3A_98, %slice3A : vector<4096x128xf32>
    %mul3A_106 = vector.broadcast %convert_element_type3A_104 : vector<4096x1xf32> to vector<4096x128xf32>
    %mul3A_107 = arith.mulf %mul3A_105, %mul3A_106 : vector<4096x128xf32>
    %get3A_108 = arith.constant 0 : index
    %get3A_109 = arith.constant 0 : index
    %get3A_110 = vector.load %arg14[%get3A_108, %get3A_109] : memref<128x4096xf32, #tpu.memory_space<vmem>>, vector<128x4096xf32>
    %dot_general3A_111 = arith.constant dense<0.000000e+00> : vector<128x128xf32>
    %dot_general3A_112 = tpu.matmul %get3A_110, %mul3A_107, %dot_general3A_111 {dimension_numbers = #tpu.dot_dimension_numbers<[1], [0], [0], [1], [0, 0, 1, 1], [], []>, transpose_lhs_hint = false} : vector<128x4096xf32>, vector<4096x128xf32>, vector<128x128xf32> -> vector<128x128xf32>
    %get3A_113 = arith.constant 0 : index
    %get3A_114 = arith.constant 0 : index
    %get3A_115 = vector.load %arg3[%get3A_113, %get3A_114] : memref<128x32xf32, #tpu.memory_space<vmem>>, vector<128x32xf32>
    %le3A_116 = arith.constant 4.000000e-02 : f32
    %le3A_117 = vector.broadcast %le3A_116 : f32 to vector<128x32xf32>
    %le3A_118 = arith.cmpf ole, %get3A_115, %le3A_117 : vector<128x32xf32>
    %convert_element_type3A_119 = arith.extui %le3A_118 : vector<128x32xi1> to vector<128x32xi32>
    %convert_element_type3A_120 = arith.sitofp %convert_element_type3A_119 : vector<128x32xi32> to vector<128x32xf32>
    %reduce_sum3A = arith.constant dense<0.000000e+00> : vector<128xf32>
    %reduce_sum3A_121 = vector.multi_reduction <add>, %convert_element_type3A_120, %reduce_sum3A [1] : vector<128x32xf32> to vector<128xf32>
    %broadcast_in_dim3A_122 = vector.shape_cast %reduce_sum3A_121 : vector<128xf32> to vector<128x1xf32>
    %max3A = arith.constant 1.000000e+00 : f32
    %max3A_123 = vector.broadcast %max3A : f32 to vector<128x1xf32>
    %max3A_124 = arith.maximumf %broadcast_in_dim3A_122, %max3A_123 : vector<128x1xf32>
    %div3A = vector.broadcast %max3A_124 : vector<128x1xf32> to vector<128x128xf32>
    %div3A_125 = arith.divf %dot_general3A_112, %div3A : vector<128x128xf32>
    %get3A_126 = arith.constant 0 : index
    %get3A_127 = arith.constant 0 : index
    %get3A_128 = vector.load %arg15[%get3A_126, %get3A_127] : memref<128x256xf32, #tpu.memory_space<vmem>>, vector<128x256xf32>
    %dot_general3A_129 = arith.constant dense<0.000000e+00> : vector<128x256xf32>
    %dot_general3A_130 = tpu.matmul %div3A_125, %get3A_128, %dot_general3A_129 {dimension_numbers = #tpu.dot_dimension_numbers<[1], [0], [0], [1], [0, 0, 1, 1], [], []>, transpose_lhs_hint = false} : vector<128x128xf32>, vector<128x256xf32>, vector<128x256xf32> -> vector<128x256xf32>
    %get3A_131 = arith.constant 0 : index
    %get3A_132 = arith.constant 0 : index
    %get3A_133 = vector.load %arg16[%get3A_131, %get3A_132] : memref<1x256xf32, #tpu.memory_space<vmem>>, vector<1x256xf32>
    %add3A_134 = vector.broadcast %get3A_133 : vector<1x256xf32> to vector<128x256xf32>
    %add3A_135 = arith.addf %dot_general3A_130, %add3A_134 : vector<128x256xf32>
    %integer_pow3A_136 = arith.mulf %add3A_135, %add3A_135 : vector<128x256xf32>
    %integer_pow3A_137 = arith.mulf %add3A_135, %integer_pow3A_136 : vector<128x256xf32>
    %mul3A_138 = arith.constant 4.471500e-02 : f32
    %mul3A_139 = vector.broadcast %mul3A_138 : f32 to vector<128x256xf32>
    %mul3A_140 = arith.mulf %mul3A_139, %integer_pow3A_137 : vector<128x256xf32>
    %add3A_141 = arith.addf %add3A_135, %mul3A_140 : vector<128x256xf32>
    %mul3A_142 = arith.constant 0.797884583 : f32
    %mul3A_143 = vector.broadcast %mul3A_142 : f32 to vector<128x256xf32>
    %mul3A_144 = arith.mulf %mul3A_143, %add3A_141 : vector<128x256xf32>
    %tanh3A_145 = math.tanh %mul3A_144 : vector<128x256xf32>
    %add3A_146 = arith.constant 1.000000e+00 : f32
    %add3A_147 = vector.broadcast %add3A_146 : f32 to vector<128x256xf32>
    %add3A_148 = arith.addf %add3A_147, %tanh3A_145 : vector<128x256xf32>
    %mul3A_149 = arith.constant 5.000000e-01 : f32
    %mul3A_150 = vector.broadcast %mul3A_149 : f32 to vector<128x256xf32>
    %mul3A_151 = arith.mulf %mul3A_150, %add3A_148 : vector<128x256xf32>
    %mul3A_152 = arith.mulf %add3A_135, %mul3A_151 : vector<128x256xf32>
    %get3A_153 = arith.constant 0 : index
    %get3A_154 = arith.constant 0 : index
    %get3A_155 = vector.load %arg17[%get3A_153, %get3A_154] : memref<256x64xf32, #tpu.memory_space<vmem>>, vector<256x64xf32>
    %dot_general3A_156 = arith.constant dense<0.000000e+00> : vector<128x64xf32>
    %dot_general3A_157 = tpu.matmul %mul3A_152, %get3A_155, %dot_general3A_156 {dimension_numbers = #tpu.dot_dimension_numbers<[1], [0], [0], [1], [0, 0, 1, 1], [], []>, transpose_lhs_hint = false} : vector<128x256xf32>, vector<256x64xf32>, vector<128x64xf32> -> vector<128x64xf32>
    %get3A_158 = arith.constant 0 : index
    %get3A_159 = arith.constant 0 : index
    %get3A_160 = vector.load %arg18[%get3A_158, %get3A_159] : memref<1x64xf32, #tpu.memory_space<vmem>>, vector<1x64xf32>
    %add3A_161 = vector.broadcast %get3A_160 : vector<1x64xf32> to vector<128x64xf32>
    %add3A_162 = arith.addf %dot_general3A_157, %add3A_161 : vector<128x64xf32>
    %swap3A = arith.constant 0 : index
    %swap3A_163 = arith.constant 0 : index
    %swap3A_164 = vector.load %arg19[%swap3A, %swap3A_163] : memref<128x64xf32, #tpu.memory_space<vmem>>, vector<128x64xf32>
    tpu.vector_store %arg19[%swap3A, %swap3A_163], %add3A_162 {strides = array<i32>} : memref<128x64xf32, #tpu.memory_space<vmem>>, vector<128x64xf32>,
    return
  }
  func.func @transform_0(%arg0: i32) -> (i32, i32) {
    %c0_i32 = arith.constant 0 : i32
    %c0_i32_0 = arith.constant 0 : i32
    return %arg0, %c0_i32 : i32, i32
  }
  func.func @transform_1(%arg0: i32) -> (i32, i32) {
    %c0_i32 = arith.constant 0 : i32
    %c0_i32_0 = arith.constant 0 : i32
    return %arg0, %c0_i32 : i32, i32
  }
  func.func @transform_2(%arg0: i32) -> (i32, i32) {
    %c0_i32 = arith.constant 0 : i32
    %c0_i32_0 = arith.constant 0 : i32
    return %arg0, %c0_i32 : i32, i32
  }
  func.func @transform_3(%arg0: i32) -> (i32, i32) {
    %c0_i32 = arith.constant 0 : i32
    %c0_i32_0 = arith.constant 0 : i32
    return %arg0, %c0_i32 : i32, i32
  }
  func.func @transform_4(%arg0: i32) -> (i32, i32) {
    %c0_i32 = arith.constant 0 : i32
    %c0_i32_0 = arith.constant 0 : i32
    %c0_i32_1 = arith.constant 0 : i32
    return %c0_i32, %c0_i32_0 : i32, i32
  }
  func.func @transform_5(%arg0: i32) -> (i32, i32) {
    %c0_i32 = arith.constant 0 : i32
    %c0_i32_0 = arith.constant 0 : i32
    %c0_i32_1 = arith.constant 0 : i32
    return %c0_i32, %c0_i32_0 : i32, i32
  }
  func.func @transform_6(%arg0: i32) -> (i32, i32) {
    %c0_i32 = arith.constant 0 : i32
    %c0_i32_0 = arith.constant 0 : i32
    %c0_i32_1 = arith.constant 0 : i32
    return %c0_i32, %c0_i32_0 : i32, i32
  }
  func.func @transform_7(%arg0: i32) -> (i32, i32) {
    %c0_i32 = arith.constant 0 : i32
    %c0_i32_0 = arith.constant 0 : i32
    %c0_i32_1 = arith.constant 0 : i32
    return %c0_i32, %c0_i32_0 : i32, i32
  }
  func.func @transform_8(%arg0: i32) -> (i32, i32) {
    %c0_i32 = arith.constant 0 : i32
    %c0_i32_0 = arith.constant 0 : i32
    %c0_i32_1 = arith.constant 0 : i32
    return %c0_i32, %c0_i32_0 : i32, i32
  }
  func.func @transform_9(%arg0: i32) -> (i32, i32) {
    %c0_i32 = arith.constant 0 : i32
    %c0_i32_0 = arith.constant 0 : i32
    %c0_i32_1 = arith.constant 0 : i32
    return %c0_i32, %c0_i32_0 : i32, i32
  }
  func.func @transform_10(%arg0: i32) -> (i32, i32) {
    %c0_i32 = arith.constant 0 : i32
    %c0_i32_0 = arith.constant 0 : i32
    %c0_i32_1 = arith.constant 0 : i32
    return %c0_i32, %c0_i32_0 : i32, i32
  }
  func.func @transform_11(%arg0: i32) -> (i32, i32) {
    %c0_i32 = arith.constant 0 : i32
    %c0_i32_0 = arith.constant 0 : i32
    %c0_i32_1 = arith.constant 0 : i32
    return %c0_i32, %c0_i32_0 : i32, i32
  }
  func.func @transform_12(%arg0: i32) -> (i32, i32) {
    %c0_i32 = arith.constant 0 : i32
    %c0_i32_0 = arith.constant 0 : i32
    %c0_i32_1 = arith.constant 0 : i32
    return %c0_i32, %c0_i32_0 : i32, i32
  }
  func.func @transform_13(%arg0: i32) -> (i32, i32) {
    %c0_i32 = arith.constant 0 : i32
    %c0_i32_0 = arith.constant 0 : i32
    %c0_i32_1 = arith.constant 0 : i32
    return %c0_i32, %c0_i32_0 : i32, i32
  }
  func.func @transform_14(%arg0: i32) -> (i32, i32) {
    %c0_i32 = arith.constant 0 : i32
    %c0_i32_0 = arith.constant 0 : i32
    %c0_i32_1 = arith.constant 0 : i32
    return %c0_i32, %c0_i32_0 : i32, i32
  }
  func.func @transform_15(%arg0: i32) -> (i32, i32) {
    %c0_i32 = arith.constant 0 : i32
    %c0_i32_0 = arith.constant 0 : i32
    %c0_i32_1 = arith.constant 0 : i32
    return %c0_i32, %c0_i32_0 : i32, i32
  }
  func.func @transform_16(%arg0: i32) -> (i32, i32) {
    %c0_i32 = arith.constant 0 : i32
    %c0_i32_0 = arith.constant 0 : i32
    %c0_i32_1 = arith.constant 0 : i32
    return %c0_i32, %c0_i32_0 : i32, i32
  }
  func.func @transform_17(%arg0: i32) -> (i32, i32) {
    %c0_i32 = arith.constant 0 : i32
    %c0_i32_0 = arith.constant 0 : i32
    %c0_i32_1 = arith.constant 0 : i32
    return %c0_i32, %c0_i32_0 : i32, i32
  }
  func.func @transform_18(%arg0: i32) -> (i32, i32) {
    %c0_i32 = arith.constant 0 : i32
    %c0_i32_0 = arith.constant 0 : i32
    return %arg0, %c0_i32 : i32, i32
  }
}

module attributes {stable_mosaic.version = 14 : i64} {
  func.func @_fno_body(%arg0: i32, %arg1: memref<4096x64xf32, #tpu.memory_space<vmem>>, %arg2: memref<256x4096xf32, #tpu.memory_space<vmem>>, %arg3: memref<256x4096xf32, #tpu.memory_space<vmem>>, %arg4: memref<4096x256xf32, #tpu.memory_space<vmem>>, %arg5: memref<4096x256xf32, #tpu.memory_space<vmem>>, %arg6: memref<1x64x64x256xf32, #tpu.memory_space<vmem>>, %arg7: memref<1x64x64x256xf32, #tpu.memory_space<vmem>>, %arg8: memref<1x64x64xf32, #tpu.memory_space<vmem>>, %arg9: memref<1x1x64xf32, #tpu.memory_space<vmem>>, %arg10: memref<4096x64xf32, #tpu.memory_space<vmem>>, %arg11: memref<64x256xf32, #tpu.memory_space<vmem>>, %arg12: memref<64x256xf32, #tpu.memory_space<vmem>>, %arg13: memref<64x256xf32, #tpu.memory_space<vmem>>, %arg14: memref<64x256xf32, #tpu.memory_space<vmem>>) attributes {dimension_semantics = [#tpu.dimension_semantics<arbitrary>], iteration_bounds = array<i64: 4>, scalar_prefetch = 0 : i64, scratch_operands = 4 : i64, tpu.core_type = #tpu.core_type<tc>, window_params = [{pipeline_mode = #tpu.pipeline_mode<synchronous>, transform_indices = @transform_0, window_bounds = array<i64: 4096, 64>}, {pipeline_mode = #tpu.pipeline_mode<synchronous>, transform_indices = @transform_1, window_bounds = array<i64: 256, 4096>}, {pipeline_mode = #tpu.pipeline_mode<synchronous>, transform_indices = @transform_2, window_bounds = array<i64: 256, 4096>}, {pipeline_mode = #tpu.pipeline_mode<synchronous>, transform_indices = @transform_3, window_bounds = array<i64: 4096, 256>}, {pipeline_mode = #tpu.pipeline_mode<synchronous>, transform_indices = @transform_4, window_bounds = array<i64: 4096, 256>}, {transform_indices = @transform_5, window_bounds = array<i64: 1, 64, 64, 256>}, {transform_indices = @transform_6, window_bounds = array<i64: 1, 64, 64, 256>}, {transform_indices = @transform_7, window_bounds = array<i64: 1, 64, 64>}, {transform_indices = @transform_8, window_bounds = array<i64: 1, 1, 64>}, {pipeline_mode = #tpu.pipeline_mode<synchronous>, transform_indices = @transform_9, window_bounds = array<i64: 4096, 64>}]} {
    %eq3A = arith.constant 0 : i32
    %eq3A_0 = arith.cmpi eq, %arg0, %eq3A : i32
    %get3A = arith.constant 0 : index
    %get3A_1 = arith.constant 0 : index
    %get3A_2 = vector.load %arg1[%get3A, %get3A_1] : memref<4096x64xf32, #tpu.memory_space<vmem>>, vector<4096x64xf32>
    %get3A_3 = arith.constant 0 : index
    %get3A_4 = arith.constant 0 : index
    %get3A_5 = vector.load %arg10[%get3A_3, %get3A_4] : memref<4096x64xf32, #tpu.memory_space<vmem>>, vector<4096x64xf32>
    %select_n3A = arith.select %eq3A_0, %get3A_2, %get3A_5 : vector<4096x64xf32>
    %get3A_6 = arith.constant 0 : index
    %get3A_7 = arith.constant 0 : index
    %get3A_8 = vector.load %arg2[%get3A_6, %get3A_7] : memref<256x4096xf32, #tpu.memory_space<vmem>>, vector<256x4096xf32>
    %dot_general3A = arith.constant dense<0.000000e+00> : vector<256x64xf32>
    %dot_general3A_9 = tpu.matmul %get3A_8, %select_n3A, %dot_general3A {dimension_numbers = #tpu.dot_dimension_numbers<[1], [0], [0], [1], [0, 0, 1, 1], [], []>, transpose_lhs_hint = false} : vector<256x4096xf32>, vector<4096x64xf32>, vector<256x64xf32> -> vector<256x64xf32>
    %get3A_10 = arith.constant 0 : index
    %get3A_11 = arith.constant 0 : index
    %get3A_12 = vector.load %arg3[%get3A_10, %get3A_11] : memref<256x4096xf32, #tpu.memory_space<vmem>>, vector<256x4096xf32>
    %dot_general3A_13 = arith.constant dense<0.000000e+00> : vector<256x64xf32>
    %dot_general3A_14 = tpu.matmul %get3A_12, %select_n3A, %dot_general3A_13 {dimension_numbers = #tpu.dot_dimension_numbers<[1], [0], [0], [1], [0, 0, 1, 1], [], []>, transpose_lhs_hint = false} : vector<256x4096xf32>, vector<4096x64xf32>, vector<256x64xf32> -> vector<256x64xf32>
    %transpose3A = tpu.transpose %dot_general3A_9, [1, 0] : vector<256x64xf32> -> vector<64x256xf32>
    %swap3A = arith.constant 0 : index
    %swap3A_15 = arith.constant 0 : index
    %swap3A_16 = vector.load %arg11[%swap3A, %swap3A_15] : memref<64x256xf32, #tpu.memory_space<vmem>>, vector<64x256xf32>
    tpu.vector_store %arg11[%swap3A, %swap3A_15], %transpose3A {strides = array<i32>} : memref<64x256xf32, #tpu.memory_space<vmem>>, vector<64x256xf32>,
    %transpose3A_17 = tpu.transpose %dot_general3A_14, [1, 0] : vector<256x64xf32> -> vector<64x256xf32>
    %swap3A_18 = arith.constant 0 : index
    %swap3A_19 = arith.constant 0 : index
    %swap3A_20 = vector.load %arg12[%swap3A_18, %swap3A_19] : memref<64x256xf32, #tpu.memory_space<vmem>>, vector<64x256xf32>
    tpu.vector_store %arg12[%swap3A_18, %swap3A_19], %transpose3A_17 {strides = array<i32>} : memref<64x256xf32, #tpu.memory_space<vmem>>, vector<64x256xf32>,
    %broadcast_in_dim3A = arith.constant 0.000000e+00 : f32
    %broadcast_in_dim3A_21 = vector.broadcast %broadcast_in_dim3A : f32 to vector<64x256xf32>
    %swap3A_22 = arith.constant 0 : index
    %swap3A_23 = arith.constant 0 : index
    %swap3A_24 = vector.load %arg13[%swap3A_22, %swap3A_23] : memref<64x256xf32, #tpu.memory_space<vmem>>, vector<64x256xf32>
    tpu.vector_store %arg13[%swap3A_22, %swap3A_23], %broadcast_in_dim3A_21 {strides = array<i32>} : memref<64x256xf32, #tpu.memory_space<vmem>>, vector<64x256xf32>,
    %broadcast_in_dim3A_25 = arith.constant 0.000000e+00 : f32
    %broadcast_in_dim3A_26 = vector.broadcast %broadcast_in_dim3A_25 : f32 to vector<64x256xf32>
    %swap3A_27 = arith.constant 0 : index
    %swap3A_28 = arith.constant 0 : index
    %swap3A_29 = vector.load %arg14[%swap3A_27, %swap3A_28] : memref<64x256xf32, #tpu.memory_space<vmem>>, vector<64x256xf32>
    tpu.vector_store %arg14[%swap3A_27, %swap3A_28], %broadcast_in_dim3A_26 {strides = array<i32>} : memref<64x256xf32, #tpu.memory_space<vmem>>, vector<64x256xf32>,
    %scan3A = arith.constant 0 : i32
    %scan3A_30 = arith.constant 64 : i32
    %scan3A_31 = arith.addi %scan3A, %scan3A_30 : i32
    %scan3A_32 = arith.constant 1 : i32
    scf.for %scan3A_86 = %scan3A to %scan3A_31 step %scan3A_32  : i32 {
      %get3A_87 = arith.index_cast %scan3A_86 : i32 to index
      %get3A_88 = arith.constant 0 : index
      %get3A_89 = vector.load %arg11[%get3A_87, %get3A_88] : memref<64x256xf32, #tpu.memory_space<vmem>>, vector<1x256xf32>
      %get3A_90 = arith.index_cast %scan3A_86 : i32 to index
      %get3A_91 = arith.constant 0 : index
      %get3A_92 = vector.load %arg12[%get3A_90, %get3A_91] : memref<64x256xf32, #tpu.memory_space<vmem>>, vector<1x256xf32>
      %get3A_93 = arith.constant 0 : index
      %get3A_94 = arith.index_cast %scan3A_86 : i32 to index
      %get3A_95 = arith.constant 0 : index
      %get3A_96 = arith.constant 0 : index
      %get3A_97 = vector.load %arg6[%get3A_93, %get3A_94, %get3A_95, %get3A_96] : memref<1x64x64x256xf32, #tpu.memory_space<vmem>>, vector<1x1x64x256xf32>
      %get3A_98 = vector.shape_cast %get3A_97 : vector<1x1x64x256xf32> to vector<64x256xf32>
      %get3A_99 = arith.constant 0 : index
      %get3A_100 = arith.index_cast %scan3A_86 : i32 to index
      %get3A_101 = arith.constant 0 : index
      %get3A_102 = arith.constant 0 : index
      %get3A_103 = vector.load %arg7[%get3A_99, %get3A_100, %get3A_101, %get3A_102] : memref<1x64x64x256xf32, #tpu.memory_space<vmem>>, vector<1x1x64x256xf32>
      %get3A_104 = vector.shape_cast %get3A_103 : vector<1x1x64x256xf32> to vector<64x256xf32>
      %get3A_105 = arith.constant 0 : index
      %get3A_106 = arith.constant 0 : index
      %get3A_107 = vector.load %arg13[%get3A_105, %get3A_106] : memref<64x256xf32, #tpu.memory_space<vmem>>, vector<64x256xf32>
      %mul3A_108 = vector.broadcast %get3A_89 : vector<1x256xf32> to vector<64x256xf32>
      %mul3A_109 = arith.mulf %mul3A_108, %get3A_98 : vector<64x256xf32>
      %add3A_110 = arith.addf %get3A_107, %mul3A_109 : vector<64x256xf32>
      %mul3A_111 = vector.broadcast %get3A_92 : vector<1x256xf32> to vector<64x256xf32>
      %mul3A_112 = arith.mulf %mul3A_111, %get3A_104 : vector<64x256xf32>
      %sub3A = arith.subf %add3A_110, %mul3A_112 : vector<64x256xf32>
      %swap3A_113 = arith.constant 0 : index
      %swap3A_114 = arith.constant 0 : index
      %swap3A_115 = vector.load %arg13[%swap3A_113, %swap3A_114] : memref<64x256xf32, #tpu.memory_space<vmem>>, vector<64x256xf32>
      tpu.vector_store %arg13[%swap3A_113, %swap3A_114], %sub3A {strides = array<i32>} : memref<64x256xf32, #tpu.memory_space<vmem>>, vector<64x256xf32>,
      %get3A_116 = arith.constant 0 : index
      %get3A_117 = arith.constant 0 : index
      %get3A_118 = vector.load %arg14[%get3A_116, %get3A_117] : memref<64x256xf32, #tpu.memory_space<vmem>>, vector<64x256xf32>
      %mul3A_119 = vector.broadcast %get3A_89 : vector<1x256xf32> to vector<64x256xf32>
      %mul3A_120 = arith.mulf %mul3A_119, %get3A_104 : vector<64x256xf32>
      %add3A_121 = arith.addf %get3A_118, %mul3A_120 : vector<64x256xf32>
      %mul3A_122 = vector.broadcast %get3A_92 : vector<1x256xf32> to vector<64x256xf32>
      %mul3A_123 = arith.mulf %mul3A_122, %get3A_98 : vector<64x256xf32>
      %add3A_124 = arith.addf %add3A_121, %mul3A_123 : vector<64x256xf32>
      %swap3A_125 = arith.constant 0 : index
      %swap3A_126 = arith.constant 0 : index
      %swap3A_127 = vector.load %arg14[%swap3A_125, %swap3A_126] : memref<64x256xf32, #tpu.memory_space<vmem>>, vector<64x256xf32>
      tpu.vector_store %arg14[%swap3A_125, %swap3A_126], %add3A_124 {strides = array<i32>} : memref<64x256xf32, #tpu.memory_space<vmem>>, vector<64x256xf32>,
    }
    %scan3A_33 = arith.constant 64 : i32
    %get3A_34 = arith.constant 0 : index
    %get3A_35 = arith.constant 0 : index
    %get3A_36 = vector.load %arg13[%get3A_34, %get3A_35] : memref<64x256xf32, #tpu.memory_space<vmem>>, vector<64x256xf32>
    %transpose3A_37 = tpu.transpose %get3A_36, [1, 0] : vector<64x256xf32> -> vector<256x64xf32>
    %get3A_38 = arith.constant 0 : index
    %get3A_39 = arith.constant 0 : index
    %get3A_40 = vector.load %arg14[%get3A_38, %get3A_39] : memref<64x256xf32, #tpu.memory_space<vmem>>, vector<64x256xf32>
    %transpose3A_41 = tpu.transpose %get3A_40, [1, 0] : vector<64x256xf32> -> vector<256x64xf32>
    %get3A_42 = arith.constant 0 : index
    %get3A_43 = arith.constant 0 : index
    %get3A_44 = vector.load %arg4[%get3A_42, %get3A_43] : memref<4096x256xf32, #tpu.memory_space<vmem>>, vector<4096x256xf32>
    %dot_general3A_45 = arith.constant dense<0.000000e+00> : vector<4096x64xf32>
    %dot_general3A_46 = tpu.matmul %get3A_44, %transpose3A_37, %dot_general3A_45 {dimension_numbers = #tpu.dot_dimension_numbers<[1], [0], [0], [1], [0, 0, 1, 1], [], []>, transpose_lhs_hint = false} : vector<4096x256xf32>, vector<256x64xf32>, vector<4096x64xf32> -> vector<4096x64xf32>
    %get3A_47 = arith.constant 0 : index
    %get3A_48 = arith.constant 0 : index
    %get3A_49 = vector.load %arg5[%get3A_47, %get3A_48] : memref<4096x256xf32, #tpu.memory_space<vmem>>, vector<4096x256xf32>
    %dot_general3A_50 = arith.constant dense<0.000000e+00> : vector<4096x64xf32>
    %dot_general3A_51 = tpu.matmul %get3A_49, %transpose3A_41, %dot_general3A_50 {dimension_numbers = #tpu.dot_dimension_numbers<[1], [0], [0], [1], [0, 0, 1, 1], [], []>, transpose_lhs_hint = false} : vector<4096x256xf32>, vector<256x64xf32>, vector<4096x64xf32> -> vector<4096x64xf32>
    %add3A = arith.addf %dot_general3A_46, %dot_general3A_51 : vector<4096x64xf32>
    %get3A_52 = arith.constant 0 : index
    %get3A_53 = arith.constant 0 : index
    %get3A_54 = arith.constant 0 : index
    %get3A_55 = vector.load %arg8[%get3A_52, %get3A_53, %get3A_54] : memref<1x64x64xf32, #tpu.memory_space<vmem>>, vector<1x64x64xf32>
    %get3A_56 = vector.shape_cast %get3A_55 : vector<1x64x64xf32> to vector<64x64xf32>
    %dot_general3A_57 = arith.constant dense<0.000000e+00> : vector<4096x64xf32>
    %dot_general3A_58 = tpu.matmul %select_n3A, %get3A_56, %dot_general3A_57 {dimension_numbers = #tpu.dot_dimension_numbers<[1], [0], [0], [1], [0, 0, 1, 1], [], []>, transpose_lhs_hint = false} : vector<4096x64xf32>, vector<64x64xf32>, vector<4096x64xf32> -> vector<4096x64xf32>
    %get3A_59 = arith.constant 0 : index
    %get3A_60 = arith.constant 0 : index
    %get3A_61 = arith.constant 0 : index
    %get3A_62 = vector.load %arg9[%get3A_59, %get3A_60, %get3A_61] : memref<1x1x64xf32, #tpu.memory_space<vmem>>, vector<1x1x64xf32>
    %get3A_63 = vector.shape_cast %get3A_62 : vector<1x1x64xf32> to vector<1x64xf32>
    %add3A_64 = vector.broadcast %get3A_63 : vector<1x64xf32> to vector<4096x64xf32>
    %add3A_65 = arith.addf %dot_general3A_58, %add3A_64 : vector<4096x64xf32>
    %add3A_66 = arith.addf %add3A, %add3A_65 : vector<4096x64xf32>
    %lt3A = arith.constant 3 : i32
    %lt3A_67 = arith.cmpi slt, %arg0, %lt3A : i32
    %integer_pow3A = arith.mulf %add3A_66, %add3A_66 : vector<4096x64xf32>
    %integer_pow3A_68 = arith.mulf %add3A_66, %integer_pow3A : vector<4096x64xf32>
    %mul3A = arith.constant 4.471500e-02 : f32
    %mul3A_69 = vector.broadcast %mul3A : f32 to vector<4096x64xf32>
    %mul3A_70 = arith.mulf %mul3A_69, %integer_pow3A_68 : vector<4096x64xf32>
    %add3A_71 = arith.addf %add3A_66, %mul3A_70 : vector<4096x64xf32>
    %mul3A_72 = arith.constant 0.797884583 : f32
    %mul3A_73 = vector.broadcast %mul3A_72 : f32 to vector<4096x64xf32>
    %mul3A_74 = arith.mulf %mul3A_73, %add3A_71 : vector<4096x64xf32>
    %tanh3A = math.tanh %mul3A_74 : vector<4096x64xf32>
    %add3A_75 = arith.constant 1.000000e+00 : f32
    %add3A_76 = vector.broadcast %add3A_75 : f32 to vector<4096x64xf32>
    %add3A_77 = arith.addf %add3A_76, %tanh3A : vector<4096x64xf32>
    %mul3A_78 = arith.constant 5.000000e-01 : f32
    %mul3A_79 = vector.broadcast %mul3A_78 : f32 to vector<4096x64xf32>
    %mul3A_80 = arith.mulf %mul3A_79, %add3A_77 : vector<4096x64xf32>
    %mul3A_81 = arith.mulf %add3A_66, %mul3A_80 : vector<4096x64xf32>
    %select_n3A_82 = arith.select %lt3A_67, %mul3A_81, %add3A_66 : vector<4096x64xf32>
    %swap3A_83 = arith.constant 0 : index
    %swap3A_84 = arith.constant 0 : index
    %swap3A_85 = vector.load %arg10[%swap3A_83, %swap3A_84] : memref<4096x64xf32, #tpu.memory_space<vmem>>, vector<4096x64xf32>
    tpu.vector_store %arg10[%swap3A_83, %swap3A_84], %select_n3A_82 {strides = array<i32>} : memref<4096x64xf32, #tpu.memory_space<vmem>>, vector<4096x64xf32>,
    return
  }
  func.func @transform_0(%arg0: i32) -> (i32, i32) {
    %c0_i32 = arith.constant 0 : i32
    %c0_i32_0 = arith.constant 0 : i32
    %c0_i32_1 = arith.constant 0 : i32
    return %c0_i32, %c0_i32_0 : i32, i32
  }
  func.func @transform_1(%arg0: i32) -> (i32, i32) {
    %c0_i32 = arith.constant 0 : i32
    %c0_i32_0 = arith.constant 0 : i32
    %c0_i32_1 = arith.constant 0 : i32
    return %c0_i32, %c0_i32_0 : i32, i32
  }
  func.func @transform_2(%arg0: i32) -> (i32, i32) {
    %c0_i32 = arith.constant 0 : i32
    %c0_i32_0 = arith.constant 0 : i32
    %c0_i32_1 = arith.constant 0 : i32
    return %c0_i32, %c0_i32_0 : i32, i32
  }
  func.func @transform_3(%arg0: i32) -> (i32, i32) {
    %c0_i32 = arith.constant 0 : i32
    %c0_i32_0 = arith.constant 0 : i32
    %c0_i32_1 = arith.constant 0 : i32
    return %c0_i32, %c0_i32_0 : i32, i32
  }
  func.func @transform_4(%arg0: i32) -> (i32, i32) {
    %c0_i32 = arith.constant 0 : i32
    %c0_i32_0 = arith.constant 0 : i32
    %c0_i32_1 = arith.constant 0 : i32
    return %c0_i32, %c0_i32_0 : i32, i32
  }
  func.func @transform_5(%arg0: i32) -> (i32, i32, i32, i32) {
    %c0_i32 = arith.constant 0 : i32
    %c0_i32_0 = arith.constant 0 : i32
    %c0_i32_1 = arith.constant 0 : i32
    %c0_i32_2 = arith.constant 0 : i32
    return %arg0, %c0_i32, %c0_i32_0, %c0_i32_1 : i32, i32, i32, i32
  }
  func.func @transform_6(%arg0: i32) -> (i32, i32, i32, i32) {
    %c0_i32 = arith.constant 0 : i32
    %c0_i32_0 = arith.constant 0 : i32
    %c0_i32_1 = arith.constant 0 : i32
    %c0_i32_2 = arith.constant 0 : i32
    return %arg0, %c0_i32, %c0_i32_0, %c0_i32_1 : i32, i32, i32, i32
  }
  func.func @transform_7(%arg0: i32) -> (i32, i32, i32) {
    %c0_i32 = arith.constant 0 : i32
    %c0_i32_0 = arith.constant 0 : i32
    %c0_i32_1 = arith.constant 0 : i32
    return %arg0, %c0_i32, %c0_i32_0 : i32, i32, i32
  }
  func.func @transform_8(%arg0: i32) -> (i32, i32, i32) {
    %c0_i32 = arith.constant 0 : i32
    %c0_i32_0 = arith.constant 0 : i32
    %c0_i32_1 = arith.constant 0 : i32
    return %arg0, %c0_i32, %c0_i32_0 : i32, i32, i32
  }
  func.func @transform_9(%arg0: i32) -> (i32, i32) {
    %c0_i32 = arith.constant 0 : i32
    %c0_i32_0 = arith.constant 0 : i32
    %c0_i32_1 = arith.constant 0 : i32
    return %c0_i32, %c0_i32_0 : i32, i32
  }
}

module attributes {stable_mosaic.version = 14 : i64} {
  func.func @_gno_body(%arg0: i32, %arg1: memref<128x128xf32, #tpu.memory_space<vmem>>, %arg2: memref<2048x80xf32, #tpu.memory_space<vmem>>, %arg3: memref<128x16xf32, #tpu.memory_space<vmem>>, %arg4: memref<2048x1xf32, #tpu.memory_space<vmem>>, %arg5: memref<128x512xf32, #tpu.memory_space<vmem>>, %arg6: memref<80x512xf32, #tpu.memory_space<vmem>>, %arg7: memref<1x512xf32, #tpu.memory_space<vmem>>, %arg8: memref<512x256xf32, #tpu.memory_space<vmem>>, %arg9: memref<1x256xf32, #tpu.memory_space<vmem>>, %arg10: memref<256x64xf32, #tpu.memory_space<vmem>>, %arg11: memref<1x64xf32, #tpu.memory_space<vmem>>, %arg12: memref<128x2048xf32, #tpu.memory_space<vmem>>, %arg13: memref<64x256xf32, #tpu.memory_space<vmem>>, %arg14: memref<1x256xf32, #tpu.memory_space<vmem>>, %arg15: memref<256x128xf32, #tpu.memory_space<vmem>>, %arg16: memref<1x128xf32, #tpu.memory_space<vmem>>, %arg17: memref<128x128xf32, #tpu.memory_space<vmem>>) attributes {dimension_semantics = [#tpu.dimension_semantics<arbitrary>], iteration_bounds = array<i64: 80>, scalar_prefetch = 0 : i64, scratch_operands = 0 : i64, tpu.core_type = #tpu.core_type<tc>, window_params = [{transform_indices = @transform_0, window_bounds = array<i64: 128, 128>}, {transform_indices = @transform_1, window_bounds = array<i64: 2048, 80>}, {transform_indices = @transform_2, window_bounds = array<i64: 128, 16>}, {transform_indices = @transform_3, window_bounds = array<i64: 2048, 1>}, {pipeline_mode = #tpu.pipeline_mode<synchronous>, transform_indices = @transform_4, window_bounds = array<i64: 128, 512>}, {pipeline_mode = #tpu.pipeline_mode<synchronous>, transform_indices = @transform_5, window_bounds = array<i64: 80, 512>}, {pipeline_mode = #tpu.pipeline_mode<synchronous>, transform_indices = @transform_6, window_bounds = array<i64: 1, 512>}, {pipeline_mode = #tpu.pipeline_mode<synchronous>, transform_indices = @transform_7, window_bounds = array<i64: 512, 256>}, {pipeline_mode = #tpu.pipeline_mode<synchronous>, transform_indices = @transform_8, window_bounds = array<i64: 1, 256>}, {pipeline_mode = #tpu.pipeline_mode<synchronous>, transform_indices = @transform_9, window_bounds = array<i64: 256, 64>}, {pipeline_mode = #tpu.pipeline_mode<synchronous>, transform_indices = @transform_10, window_bounds = array<i64: 1, 64>}, {pipeline_mode = #tpu.pipeline_mode<synchronous>, transform_indices = @transform_11, window_bounds = array<i64: 128, 2048>}, {pipeline_mode = #tpu.pipeline_mode<synchronous>, transform_indices = @transform_12, window_bounds = array<i64: 64, 256>}, {pipeline_mode = #tpu.pipeline_mode<synchronous>, transform_indices = @transform_13, window_bounds = array<i64: 1, 256>}, {pipeline_mode = #tpu.pipeline_mode<synchronous>, transform_indices = @transform_14, window_bounds = array<i64: 256, 128>}, {pipeline_mode = #tpu.pipeline_mode<synchronous>, transform_indices = @transform_15, window_bounds = array<i64: 1, 128>}, {transform_indices = @transform_16, window_bounds = array<i64: 128, 128>}]} {
    %get3A = arith.constant 0 : index
    %get3A_0 = arith.constant 0 : index
    %get3A_1 = vector.load %arg1[%get3A, %get3A_0] : memref<128x128xf32, #tpu.memory_space<vmem>>, vector<128x128xf32>
    %get3A_2 = arith.constant 0 : index
    %get3A_3 = arith.constant 0 : index
    %get3A_4 = vector.load %arg2[%get3A_2, %get3A_3] : memref<2048x80xf32, #tpu.memory_space<vmem>>, vector<2048x80xf32>
    %get3A_5 = arith.constant 0 : index
    %get3A_6 = arith.constant 0 : index
    %get3A_7 = vector.load %arg5[%get3A_5, %get3A_6] : memref<128x512xf32, #tpu.memory_space<vmem>>, vector<128x512xf32>
    %dot_general3A = arith.constant dense<0.000000e+00> : vector<128x512xf32>
    %dot_general3A_8 = tpu.matmul %get3A_1, %get3A_7, %dot_general3A {dimension_numbers = #tpu.dot_dimension_numbers<[1], [0], [0], [1], [0, 0, 1, 1], [], []>, transpose_lhs_hint = false} : vector<128x128xf32>, vector<128x512xf32>, vector<128x512xf32> -> vector<128x512xf32>
    %get3A_9 = arith.constant 0 : index
    %get3A_10 = arith.constant 0 : index
    %get3A_11 = vector.load %arg6[%get3A_9, %get3A_10] : memref<80x512xf32, #tpu.memory_space<vmem>>, vector<80x512xf32>
    %dot_general3A_12 = arith.constant dense<0.000000e+00> : vector<2048x512xf32>
    %dot_general3A_13 = tpu.matmul %get3A_4, %get3A_11, %dot_general3A_12 {dimension_numbers = #tpu.dot_dimension_numbers<[1], [0], [0], [1], [0, 0, 1, 1], [], []>, transpose_lhs_hint = false} : vector<2048x80xf32>, vector<80x512xf32>, vector<2048x512xf32> -> vector<2048x512xf32>
    %broadcast_in_dim3A = vector.shape_cast %dot_general3A_8 : vector<128x512xf32> to vector<128x1x512xf32>
    %broadcast_in_dim3A_14 = vector.shape_cast %broadcast_in_dim3A : vector<128x1x512xf32> to vector<128x1x512xf32>
    %broadcast_in_dim3A_15 = vector.broadcast %broadcast_in_dim3A_14 : vector<128x1x512xf32> to vector<128x16x512xf32>
    %reshape3A = vector.shape_cast %broadcast_in_dim3A_15 : vector<128x16x512xf32> to vector<2048x512xf32>
    %add3A = arith.addf %dot_general3A_13, %reshape3A : vector<2048x512xf32>
    %get3A_16 = arith.constant 0 : index
    %get3A_17 = arith.constant 0 : index
    %get3A_18 = vector.load %arg7[%get3A_16, %get3A_17] : memref<1x512xf32, #tpu.memory_space<vmem>>, vector<1x512xf32>
    %add3A_19 = vector.broadcast %get3A_18 : vector<1x512xf32> to vector<2048x512xf32>
    %add3A_20 = arith.addf %add3A, %add3A_19 : vector<2048x512xf32>
    %integer_pow3A = arith.mulf %add3A_20, %add3A_20 : vector<2048x512xf32>
    %integer_pow3A_21 = arith.mulf %add3A_20, %integer_pow3A : vector<2048x512xf32>
    %mul3A = arith.constant 4.471500e-02 : f32
    %mul3A_22 = vector.broadcast %mul3A : f32 to vector<2048x512xf32>
    %mul3A_23 = arith.mulf %mul3A_22, %integer_pow3A_21 : vector<2048x512xf32>
    %add3A_24 = arith.addf %add3A_20, %mul3A_23 : vector<2048x512xf32>
    %mul3A_25 = arith.constant 0.797884583 : f32
    %mul3A_26 = vector.broadcast %mul3A_25 : f32 to vector<2048x512xf32>
    %mul3A_27 = arith.mulf %mul3A_26, %add3A_24 : vector<2048x512xf32>
    %tanh3A = math.tanh %mul3A_27 : vector<2048x512xf32>
    %add3A_28 = arith.constant 1.000000e+00 : f32
    %add3A_29 = vector.broadcast %add3A_28 : f32 to vector<2048x512xf32>
    %add3A_30 = arith.addf %add3A_29, %tanh3A : vector<2048x512xf32>
    %mul3A_31 = arith.constant 5.000000e-01 : f32
    %mul3A_32 = vector.broadcast %mul3A_31 : f32 to vector<2048x512xf32>
    %mul3A_33 = arith.mulf %mul3A_32, %add3A_30 : vector<2048x512xf32>
    %mul3A_34 = arith.mulf %add3A_20, %mul3A_33 : vector<2048x512xf32>
    %get3A_35 = arith.constant 0 : index
    %get3A_36 = arith.constant 0 : index
    %get3A_37 = vector.load %arg8[%get3A_35, %get3A_36] : memref<512x256xf32, #tpu.memory_space<vmem>>, vector<512x256xf32>
    %get3A_38 = arith.constant 0 : index
    %get3A_39 = arith.constant 0 : index
    %get3A_40 = vector.load %arg9[%get3A_38, %get3A_39] : memref<1x256xf32, #tpu.memory_space<vmem>>, vector<1x256xf32>
    %dot_general3A_41 = arith.constant dense<0.000000e+00> : vector<2048x256xf32>
    %dot_general3A_42 = tpu.matmul %mul3A_34, %get3A_37, %dot_general3A_41 {dimension_numbers = #tpu.dot_dimension_numbers<[1], [0], [0], [1], [0, 0, 1, 1], [], []>, transpose_lhs_hint = false} : vector<2048x512xf32>, vector<512x256xf32>, vector<2048x256xf32> -> vector<2048x256xf32>
    %add3A_43 = vector.broadcast %get3A_40 : vector<1x256xf32> to vector<2048x256xf32>
    %add3A_44 = arith.addf %dot_general3A_42, %add3A_43 : vector<2048x256xf32>
    %integer_pow3A_45 = arith.mulf %add3A_44, %add3A_44 : vector<2048x256xf32>
    %integer_pow3A_46 = arith.mulf %add3A_44, %integer_pow3A_45 : vector<2048x256xf32>
    %mul3A_47 = arith.constant 4.471500e-02 : f32
    %mul3A_48 = vector.broadcast %mul3A_47 : f32 to vector<2048x256xf32>
    %mul3A_49 = arith.mulf %mul3A_48, %integer_pow3A_46 : vector<2048x256xf32>
    %add3A_50 = arith.addf %add3A_44, %mul3A_49 : vector<2048x256xf32>
    %mul3A_51 = arith.constant 0.797884583 : f32
    %mul3A_52 = vector.broadcast %mul3A_51 : f32 to vector<2048x256xf32>
    %mul3A_53 = arith.mulf %mul3A_52, %add3A_50 : vector<2048x256xf32>
    %tanh3A_54 = math.tanh %mul3A_53 : vector<2048x256xf32>
    %add3A_55 = arith.constant 1.000000e+00 : f32
    %add3A_56 = vector.broadcast %add3A_55 : f32 to vector<2048x256xf32>
    %add3A_57 = arith.addf %add3A_56, %tanh3A_54 : vector<2048x256xf32>
    %mul3A_58 = arith.constant 5.000000e-01 : f32
    %mul3A_59 = vector.broadcast %mul3A_58 : f32 to vector<2048x256xf32>
    %mul3A_60 = arith.mulf %mul3A_59, %add3A_57 : vector<2048x256xf32>
    %mul3A_61 = arith.mulf %add3A_44, %mul3A_60 : vector<2048x256xf32>
    %get3A_62 = arith.constant 0 : index
    %get3A_63 = arith.constant 0 : index
    %get3A_64 = vector.load %arg10[%get3A_62, %get3A_63] : memref<256x64xf32, #tpu.memory_space<vmem>>, vector<256x64xf32>
    %get3A_65 = arith.constant 0 : index
    %get3A_66 = arith.constant 0 : index
    %get3A_67 = vector.load %arg11[%get3A_65, %get3A_66] : memref<1x64xf32, #tpu.memory_space<vmem>>, vector<1x64xf32>
    %dot_general3A_68 = arith.constant dense<0.000000e+00> : vector<2048x64xf32>
    %dot_general3A_69 = tpu.matmul %mul3A_61, %get3A_64, %dot_general3A_68 {dimension_numbers = #tpu.dot_dimension_numbers<[1], [0], [0], [1], [0, 0, 1, 1], [], []>, transpose_lhs_hint = false} : vector<2048x256xf32>, vector<256x64xf32>, vector<2048x64xf32> -> vector<2048x64xf32>
    %add3A_70 = vector.broadcast %get3A_67 : vector<1x64xf32> to vector<2048x64xf32>
    %add3A_71 = arith.addf %dot_general3A_69, %add3A_70 : vector<2048x64xf32>
    %slice3A = vector.extract_strided_slice %get3A_4 {offsets = [0, 3], sizes = [2048, 64], strides = [1, 1]} : vector<2048x80xf32> to vector<2048x64xf32>
    %get3A_72 = arith.constant 0 : index
    %get3A_73 = arith.constant 0 : index
    %get3A_74 = vector.load %arg4[%get3A_72, %get3A_73] : memref<2048x1xf32, #tpu.memory_space<vmem>>, vector<2048x1xf32>
    %le3A = arith.constant 4.000000e-02 : f32
    %le3A_75 = vector.broadcast %le3A : f32 to vector<2048x1xf32>
    %le3A_76 = arith.cmpf ole, %get3A_74, %le3A_75 : vector<2048x1xf32>
    %convert_element_type3A = arith.extui %le3A_76 : vector<2048x1xi1> to vector<2048x1xi32>
    %convert_element_type3A_77 = arith.sitofp %convert_element_type3A : vector<2048x1xi32> to vector<2048x1xf32>
    %mul3A_78 = arith.mulf %add3A_71, %slice3A : vector<2048x64xf32>
    %mul3A_79 = vector.broadcast %convert_element_type3A_77 : vector<2048x1xf32> to vector<2048x64xf32>
    %mul3A_80 = arith.mulf %mul3A_78, %mul3A_79 : vector<2048x64xf32>
    %get3A_81 = arith.constant 0 : index
    %get3A_82 = arith.constant 0 : index
    %get3A_83 = vector.load %arg12[%get3A_81, %get3A_82] : memref<128x2048xf32, #tpu.memory_space<vmem>>, vector<128x2048xf32>
    %dot_general3A_84 = arith.constant dense<0.000000e+00> : vector<128x64xf32>
    %dot_general3A_85 = tpu.matmul %get3A_83, %mul3A_80, %dot_general3A_84 {dimension_numbers = #tpu.dot_dimension_numbers<[1], [0], [0], [1], [0, 0, 1, 1], [], []>, transpose_lhs_hint = false} : vector<128x2048xf32>, vector<2048x64xf32>, vector<128x64xf32> -> vector<128x64xf32>
    %get3A_86 = arith.constant 0 : index
    %get3A_87 = arith.constant 0 : index
    %get3A_88 = vector.load %arg3[%get3A_86, %get3A_87] : memref<128x16xf32, #tpu.memory_space<vmem>>, vector<128x16xf32>
    %le3A_89 = arith.constant 4.000000e-02 : f32
    %le3A_90 = vector.broadcast %le3A_89 : f32 to vector<128x16xf32>
    %le3A_91 = arith.cmpf ole, %get3A_88, %le3A_90 : vector<128x16xf32>
    %convert_element_type3A_92 = arith.extui %le3A_91 : vector<128x16xi1> to vector<128x16xi32>
    %convert_element_type3A_93 = arith.sitofp %convert_element_type3A_92 : vector<128x16xi32> to vector<128x16xf32>
    %reduce_sum3A = arith.constant dense<0.000000e+00> : vector<128xf32>
    %reduce_sum3A_94 = vector.multi_reduction <add>, %convert_element_type3A_93, %reduce_sum3A [1] : vector<128x16xf32> to vector<128xf32>
    %broadcast_in_dim3A_95 = vector.shape_cast %reduce_sum3A_94 : vector<128xf32> to vector<128x1xf32>
    %max3A = arith.constant 1.000000e+00 : f32
    %max3A_96 = vector.broadcast %max3A : f32 to vector<128x1xf32>
    %max3A_97 = arith.maximumf %broadcast_in_dim3A_95, %max3A_96 : vector<128x1xf32>
    %div3A = vector.broadcast %max3A_97 : vector<128x1xf32> to vector<128x64xf32>
    %div3A_98 = arith.divf %dot_general3A_85, %div3A : vector<128x64xf32>
    %get3A_99 = arith.constant 0 : index
    %get3A_100 = arith.constant 0 : index
    %get3A_101 = vector.load %arg13[%get3A_99, %get3A_100] : memref<64x256xf32, #tpu.memory_space<vmem>>, vector<64x256xf32>
    %dot_general3A_102 = arith.constant dense<0.000000e+00> : vector<128x256xf32>
    %dot_general3A_103 = tpu.matmul %div3A_98, %get3A_101, %dot_general3A_102 {dimension_numbers = #tpu.dot_dimension_numbers<[1], [0], [0], [1], [0, 0, 1, 1], [], []>, transpose_lhs_hint = false} : vector<128x64xf32>, vector<64x256xf32>, vector<128x256xf32> -> vector<128x256xf32>
    %get3A_104 = arith.constant 0 : index
    %get3A_105 = arith.constant 0 : index
    %get3A_106 = vector.load %arg14[%get3A_104, %get3A_105] : memref<1x256xf32, #tpu.memory_space<vmem>>, vector<1x256xf32>
    %add3A_107 = vector.broadcast %get3A_106 : vector<1x256xf32> to vector<128x256xf32>
    %add3A_108 = arith.addf %dot_general3A_103, %add3A_107 : vector<128x256xf32>
    %integer_pow3A_109 = arith.mulf %add3A_108, %add3A_108 : vector<128x256xf32>
    %integer_pow3A_110 = arith.mulf %add3A_108, %integer_pow3A_109 : vector<128x256xf32>
    %mul3A_111 = arith.constant 4.471500e-02 : f32
    %mul3A_112 = vector.broadcast %mul3A_111 : f32 to vector<128x256xf32>
    %mul3A_113 = arith.mulf %mul3A_112, %integer_pow3A_110 : vector<128x256xf32>
    %add3A_114 = arith.addf %add3A_108, %mul3A_113 : vector<128x256xf32>
    %mul3A_115 = arith.constant 0.797884583 : f32
    %mul3A_116 = vector.broadcast %mul3A_115 : f32 to vector<128x256xf32>
    %mul3A_117 = arith.mulf %mul3A_116, %add3A_114 : vector<128x256xf32>
    %tanh3A_118 = math.tanh %mul3A_117 : vector<128x256xf32>
    %add3A_119 = arith.constant 1.000000e+00 : f32
    %add3A_120 = vector.broadcast %add3A_119 : f32 to vector<128x256xf32>
    %add3A_121 = arith.addf %add3A_120, %tanh3A_118 : vector<128x256xf32>
    %mul3A_122 = arith.constant 5.000000e-01 : f32
    %mul3A_123 = vector.broadcast %mul3A_122 : f32 to vector<128x256xf32>
    %mul3A_124 = arith.mulf %mul3A_123, %add3A_121 : vector<128x256xf32>
    %mul3A_125 = arith.mulf %add3A_108, %mul3A_124 : vector<128x256xf32>
    %get3A_126 = arith.constant 0 : index
    %get3A_127 = arith.constant 0 : index
    %get3A_128 = vector.load %arg15[%get3A_126, %get3A_127] : memref<256x128xf32, #tpu.memory_space<vmem>>, vector<256x128xf32>
    %dot_general3A_129 = arith.constant dense<0.000000e+00> : vector<128x128xf32>
    %dot_general3A_130 = tpu.matmul %mul3A_125, %get3A_128, %dot_general3A_129 {dimension_numbers = #tpu.dot_dimension_numbers<[1], [0], [0], [1], [0, 0, 1, 1], [], []>, transpose_lhs_hint = false} : vector<128x256xf32>, vector<256x128xf32>, vector<128x128xf32> -> vector<128x128xf32>
    %get3A_131 = arith.constant 0 : index
    %get3A_132 = arith.constant 0 : index
    %get3A_133 = vector.load %arg16[%get3A_131, %get3A_132] : memref<1x128xf32, #tpu.memory_space<vmem>>, vector<1x128xf32>
    %add3A_134 = vector.broadcast %get3A_133 : vector<1x128xf32> to vector<128x128xf32>
    %add3A_135 = arith.addf %dot_general3A_130, %add3A_134 : vector<128x128xf32>
    %swap3A = arith.constant 0 : index
    %swap3A_136 = arith.constant 0 : index
    %swap3A_137 = vector.load %arg17[%swap3A, %swap3A_136] : memref<128x128xf32, #tpu.memory_space<vmem>>, vector<128x128xf32>
    tpu.vector_store %arg17[%swap3A, %swap3A_136], %add3A_135 {strides = array<i32>} : memref<128x128xf32, #tpu.memory_space<vmem>>, vector<128x128xf32>,
    return
  }
  func.func @transform_0(%arg0: i32) -> (i32, i32) {
    %c0_i32 = arith.constant 0 : i32
    %c0_i32_0 = arith.constant 0 : i32
    return %arg0, %c0_i32 : i32, i32
  }
  func.func @transform_1(%arg0: i32) -> (i32, i32) {
    %c0_i32 = arith.constant 0 : i32
    %c0_i32_0 = arith.constant 0 : i32
    return %arg0, %c0_i32 : i32, i32
  }
  func.func @transform_2(%arg0: i32) -> (i32, i32) {
    %c0_i32 = arith.constant 0 : i32
    %c0_i32_0 = arith.constant 0 : i32
    return %arg0, %c0_i32 : i32, i32
  }
  func.func @transform_3(%arg0: i32) -> (i32, i32) {
    %c0_i32 = arith.constant 0 : i32
    %c0_i32_0 = arith.constant 0 : i32
    return %arg0, %c0_i32 : i32, i32
  }
  func.func @transform_4(%arg0: i32) -> (i32, i32) {
    %c0_i32 = arith.constant 0 : i32
    %c0_i32_0 = arith.constant 0 : i32
    %c0_i32_1 = arith.constant 0 : i32
    return %c0_i32, %c0_i32_0 : i32, i32
  }
  func.func @transform_5(%arg0: i32) -> (i32, i32) {
    %c0_i32 = arith.constant 0 : i32
    %c0_i32_0 = arith.constant 0 : i32
    %c0_i32_1 = arith.constant 0 : i32
    return %c0_i32, %c0_i32_0 : i32, i32
  }
  func.func @transform_6(%arg0: i32) -> (i32, i32) {
    %c0_i32 = arith.constant 0 : i32
    %c0_i32_0 = arith.constant 0 : i32
    %c0_i32_1 = arith.constant 0 : i32
    return %c0_i32, %c0_i32_0 : i32, i32
  }
  func.func @transform_7(%arg0: i32) -> (i32, i32) {
    %c0_i32 = arith.constant 0 : i32
    %c0_i32_0 = arith.constant 0 : i32
    %c0_i32_1 = arith.constant 0 : i32
    return %c0_i32, %c0_i32_0 : i32, i32
  }
  func.func @transform_8(%arg0: i32) -> (i32, i32) {
    %c0_i32 = arith.constant 0 : i32
    %c0_i32_0 = arith.constant 0 : i32
    %c0_i32_1 = arith.constant 0 : i32
    return %c0_i32, %c0_i32_0 : i32, i32
  }
  func.func @transform_9(%arg0: i32) -> (i32, i32) {
    %c0_i32 = arith.constant 0 : i32
    %c0_i32_0 = arith.constant 0 : i32
    %c0_i32_1 = arith.constant 0 : i32
    return %c0_i32, %c0_i32_0 : i32, i32
  }
  func.func @transform_10(%arg0: i32) -> (i32, i32) {
    %c0_i32 = arith.constant 0 : i32
    %c0_i32_0 = arith.constant 0 : i32
    %c0_i32_1 = arith.constant 0 : i32
    return %c0_i32, %c0_i32_0 : i32, i32
  }
  func.func @transform_11(%arg0: i32) -> (i32, i32) {
    %c0_i32 = arith.constant 0 : i32
    %c0_i32_0 = arith.constant 0 : i32
    %c0_i32_1 = arith.constant 0 : i32
    return %c0_i32, %c0_i32_0 : i32, i32
  }
  func.func @transform_12(%arg0: i32) -> (i32, i32) {
    %c0_i32 = arith.constant 0 : i32
    %c0_i32_0 = arith.constant 0 : i32
    %c0_i32_1 = arith.constant 0 : i32
    return %c0_i32, %c0_i32_0 : i32, i32
  }
  func.func @transform_13(%arg0: i32) -> (i32, i32) {
    %c0_i32 = arith.constant 0 : i32
    %c0_i32_0 = arith.constant 0 : i32
    %c0_i32_1 = arith.constant 0 : i32
    return %c0_i32, %c0_i32_0 : i32, i32
  }
  func.func @transform_14(%arg0: i32) -> (i32, i32) {
    %c0_i32 = arith.constant 0 : i32
    %c0_i32_0 = arith.constant 0 : i32
    %c0_i32_1 = arith.constant 0 : i32
    return %c0_i32, %c0_i32_0 : i32, i32
  }
  func.func @transform_15(%arg0: i32) -> (i32, i32) {
    %c0_i32 = arith.constant 0 : i32
    %c0_i32_0 = arith.constant 0 : i32
    %c0_i32_1 = arith.constant 0 : i32
    return %c0_i32, %c0_i32_0 : i32, i32
  }
  func.func @transform_16(%arg0: i32) -> (i32, i32) {
    %c0_i32 = arith.constant 0 : i32
    %c0_i32_0 = arith.constant 0 : i32
    return %arg0, %c0_i32 : i32, i32
  }
}

</mosaic_0001>

<sc_bundles>
// kernel: kernel.12.cloned.1.call-start
scs
__scs_entry_jumppad:
0x0: {  	(pc) =	sbr.rel $0x88, $3  }
0x1: {  	(tag) =	ssettag $0x0;
	lr =	simm.s32 $0x1  }
0x2: {  	[smem:$0x3F77] =	sst lr;
	_ =	strace $0xD0000000  }
0x3: {  	_ = 	snop  }
0x4: {  	_ = 	snop  }
0x5: {  	_ = 	snop  }
0x6: {  	_ = 	snop  }
0x7: {  	_ = 	snop  }
__scs_overlays_trampoline_lowered:
0x8: {  	[smem:$0x3F86] =	sst s0  }
0x9: {  	[smem:$0x3F87] =	sst s1  }
0xa: {  	[smem:$0x3F88] =	sst s2  }
0xb: {  	[smem:$0x3F89] =	sst s3  }
0xc: {  	[smem:$0x3F8A] =	sst s4  }
0xd: {  	[smem:$0x3F8B] =	sst s5  }
0xe: {  	[smem:$0x3F8C] =	sst s6  }
0xf: {  	[smem:$0x3F8D] =	sst s7  }
0x10: {  	[smem:$0x3F8E] =	sst s8  }
0x11: {  	[smem:$0x3F8F] =	sst s9;
	s0 =	simm.s32 @!p0 $0x0  }
0x12: {  	s1 =	sld [smem:$0x3F75];
	s0 =	simm.s32 @p0 $0x1  }
0x13: {  	[smem:$0x3F90] =	sst s0;
	s0 =	simm.s32 @!p1 $0x0  }
0x14: {  	s2 =	sld [smem:$0x3F74];
	s0 =	simm.s32 @p1 $0x1  }
0x15: {  	[smem:$0x3F91] =	sst s0;
	s0 =	simm.s32 @!p2 $0x0  }
0x16: {  	s3 =	sld [smem:$0x3FDB];
	s0 =	simm.s32 @p2 $0x1  }
0x17: {  	s4 =	simm.s32 $0x1BF5;
	[smem:$0x3F93] =	sst s0  }
0x18: {  	s0 =	sld [smem:$0x3F76];
	_ =	swait.ge [sflag:s4], $0x0  }
0x19: {  	s7 =	sld [smem:$0x3F77]  }
0x1a: {  	s8 =	sadd.s32 $0xFFFFE003, lr  }
0x1b: {  	s9 =	sadd.s32 $0xFFFFFEF7, lr;
	s5 =	simm.s32 $0xFFFFFFFF;
	p2 =	slt.u32 s8, $0xFFFFF086  }
0x1c: {  	p1 =	slt.u32 s9, $0xF7A;
	s5 =	simm.s32 @!p2 $0x0  }
0x1d: {  	s5 =	simm.s32 @p1 $0x1;
	p0 =	seq.s32 s7, s2  }
0x1e: {  	s7 =	smul.u32 @!p0 $0xF7A, s2;
	p2 =	seq.s32 @!p0 s5, $0x0  }
0x1f: {  	s9 =	smul.u32 $0xF7A, s1;
	s8 =	simm.s32 @!p0 $0x1BF5;
	p2 =	por !p2, p0  }
0x20: {  	[sflag:s8] =	ssyncset.s32 @!p0 $0xFFFFF086;
	s6 =	sadd.s32 @!p0 s3, s7;
	s7 =	simm.s32 @!p0 $0x108  }
0x21: {  	s3 =	sadd.s32 s3, s9;
	s6 =	sadd.s32 @!p0 $0x88, s6;
	s7 =	simm.s32 @p2 $0x1082  }
0x22: {  	[simem:s7], [sflag:s8] =	dma.local @!p0 [hbm:s6], $0xF7A  }
0x23: {  	s9 =	sor.u32 $0xD0000000, s2;
	s6 =	simm.s32 $0x108;
	_ =	swait.ge @!p0 [sflag:s8], $0x0  }
0x24: {  	s3 =	sadd.s32 $0x88, s3;
	s6 =	simm.s32 @!p1 $0x1082;
	[sflag:s4] =	ssyncset.s32 $0xFFFFF086  }
0x25: {  	[simem:s6], [sflag:s4] =	dma.local [hbm:s3], $0xF7A  }
0x26: {  	[smem:$0x3F77] =	sst s1;
	(tag) =	ssettag s2;
	_ =	strace s9  }
0x27: {  	s1 =	sld [smem:$0x3F87]  }
0x28: {  	s2 =	sld [smem:$0x3F88]  }
0x29: {  	s4 =	sld [smem:$0x3F8A]  }
0x2a: {  	p0 =	seq.s32 s5, $0x0;
	s5 =	sld [smem:$0x3F8B]  }
0x2b: {  	s6 =	sld [smem:$0x3F8C]  }
0x2c: {  	s7 =	sld [smem:$0x3F8D]  }
0x2d: {  	s3 =	simm.s32 $0x108;
	s8 =	sld [smem:$0x3F8E]  }
0x2e: {  	s3 =	simm.s32 @!p0 $0x1082;
	s9 =	sld [smem:$0x3F8F]  }
0x2f: {  	lr =	sadd.s32 s0, s3;
	s0 =	sld [smem:$0x3F86]  }
0x30: {  	s3 =	sld [smem:$0x3F89]  }
0x31: {  	[smem:$0x3F92] =	sst s10  }
0x32: {  	s10 =	sld [smem:$0x3F90];
	_ =	sdelay $0x3  }
0x33: {  	p0 =	seq.s32 s10, $0x1;
	s10 =	sld [smem:$0x3F92];
	_ =	sdelay $0x3  }
0x34: {  	[smem:$0x3F92] =	sst s10  }
0x35: {  	s10 =	sld [smem:$0x3F91];
	_ =	sdelay $0x3  }
0x36: {  	p1 =	seq.s32 s10, $0x1;
	s10 =	sld [smem:$0x3F92];
	_ =	sdelay $0x3  }
0x37: {  	[smem:$0x3F92] =	sst s10  }
0x38: {  	s10 =	sld [smem:$0x3F93]  }
0x39: {  	_ = 	snop;
	(pc) =	sbr.ind lr, $3  }
0x3a: {  	_ = 	snop  }
0x3b: {  	_ = 	snop  }
0x3c: {  	p2 =	seq.s32 s10, $0x1;
	s10 =	sld [smem:$0x3F92]  }
0x3d: {  	_ =	shalt  }
0x3e: {  	_ =	shalt  }
0x3f: {  	_ =	shalt  }
0x40: {  	_ =	shalt  }
0x41: {  	_ =	shalt  }
0x42: {  	_ =	shalt  }
0x43: {  	_ =	shalt  }
0x44: {  	_ =	shalt  }
0x45: {  	_ =	shalt  }
0x46: {  	_ =	shalt  }
0x47: {  	_ =	shalt  }
0x48: {  	_ =	shalt  }
0x49: {  	_ =	shalt  }
0x4a: {  	_ =	shalt  }
0x4b: {  	_ =	shalt  }
0x4c: {  	_ =	shalt  }
0x4d: {  	_ =	shalt  }
0x4e: {  	_ =	shalt  }
0x4f: {  	_ =	shalt  }
0x50: {  	_ =	shalt  }
0x51: {  	_ =	shalt  }
0x52: {  	_ =	shalt  }
0x53: {  	_ =	shalt  }
0x54: {  	_ =	shalt  }
0x55: {  	_ =	shalt  }
0x56: {  	_ =	shalt  }
0x57: {  	_ =	shalt  }
0x58: {  	_ =	shalt  }
0x59: {  	_ =	shalt  }
0x5a: {  	_ =	shalt  }
0x5b: {  	_ =	shalt  }
0x5c: {  	_ =	shalt  }
0x5d: {  	_ =	shalt  }
0x5e: {  	_ =	shalt  }
0x5f: {  	_ =	shalt  }
0x60: {  	_ =	shalt  }
0x61: {  	_ =	shalt  }
0x62: {  	_ =	shalt  }
0x63: {  	_ =	shalt  }
0x64: {  	_ =	shalt  }
0x65: {  	_ =	shalt  }
0x66: {  	_ =	shalt  }
0x67: {  	_ =	shalt  }
0x68: {  	_ =	shalt  }
0x69: {  	_ =	shalt  }
0x6a: {  	_ =	shalt  }
0x6b: {  	_ =	shalt  }
0x6c: {  	_ =	shalt  }
0x6d: {  	_ =	shalt  }
0x6e: {  	_ =	shalt  }
0x6f: {  	_ =	shalt  }
0x70: {  	_ =	shalt  }
0x71: {  	_ =	shalt  }
0x72: {  	_ =	shalt  }
0x73: {  	_ =	shalt  }
0x74: {  	_ =	shalt  }
0x75: {  	_ =	shalt  }
0x76: {  	_ =	shalt  }
0x77: {  	_ =	shalt  }
0x78: {  	_ =	shalt  }
0x79: {  	_ =	shalt  }
0x7a: {  	_ =	shalt  }
0x7b: {  	_ =	shalt  }
0x7c: {  	_ =	shalt  }
0x7d: {  	_ =	shalt  }
0x7e: {  	_ =	shalt  }
0x7f: {  	_ =	shalt  }
0x80: {  	_ =	shalt  }
0x81: {  	_ =	shalt  }
0x82: {  	_ =	shalt  }
0x83: {  	_ =	shalt  }
0x84: {  	_ =	shalt  }
0x85: {  	_ =	shalt  }
0x86: {  	_ =	shalt  }
0x87: {  	_ =	shalt  }
.Lfunc_end0:
.L_simem_size_0:
called_computation.1_lowered:
.L_overlay_start_0:
0x88: {  	s2 =	sld [smem:$0x3FD9]  }
0x89: {  	s3 =	sld [smem:$0x3FFE];
	_ =	sdelay $0x1  }
0x8a: {  	s1 =	srdreg.scid  }
0x8b: {  	s0 =	sand.u32 $0x1, s1  }
0x8c: {  	s17 =	sshll.u32 s0, $0xA;
	s2 =	sadd.s32 s3, s2  }
0x8d: {  	s2 =	sadd.s32 s2, s17  }
0x8e: {  	[smem:$0x3F9E] =	sst s2  }
0x8f: {  	_ = 	snop  }
0x90: {  	s2 =	sld [smem:$0x3FD0];
	(tm) =	ssettm $0x1  }
0x91: {  	s18 =	sld [smem:$0x3FFB];
	_ =	sdelay $0x3  }
0x92: {  	_ =	strace s18  }
0x93: {  	s3 =	sld [smem:$0x3FFC];
	_ =	sdelay $0x3  }
0x94: {  	_ =	strace s3  }
0x95: {  	s3 =	sld [smem:$0x3FFD];
	_ =	sdelay $0x3  }
0x96: {  	_ =	strace s3  }
0x97: {  	_ =	strace $0x8FFFFFFF  }
0x98: {  	s19 =	sld [smem:$0x3FDB];
	_ =	sdelay $0x1  }
0x99: {  	s4 =	simm.s32 $_scs_section_size  }
0x9a: {  	s5 =	simm.s32 $_size__tile_overlayer_lowered;
	s6 =	simm.s32 $_tile_overlayer_lowered  }
0x9b: {  	s22 =	simm.s32 $0x1BFF;
	s21 =	sshll.u32 s6, $0x1;
	s3 =	sadd.s32 s4, s19  }
0x9c: {  	s7 =	simm.s32 $0x0;
	s20 =	sshll.u32 s5, $0x1;
	s5 =	sadd.s32 s21, s3  }
0x9d: {  	[timem:s7], [sflag:s22] =	dma.local [hbm:s5], s20  }
0x9e: {  	_ =	swait.ge [sflag:s22], s20  }
0x9f: {  	s4 =	ssub.s32 $0x0, s20;
	[sflag:s22] =	ssyncset.done $0x0  }
0xa0: {  	[sflag:s22] =	ssyncadd.s32 s4;
	_ =	sdelay $0x1  }
0xa1: {  	s23 =	simm.s32 $0x1B8B  }
0xa2: {  	_ =	swait.ge [sflag:s23], $0x1  }
0xa3: {  	[sflag:s23] =	ssyncset.done $0x0  }
0xa4: {  	s25 =	simm.s32 $0x1B8E;
	s24 =	sld [smem:$0x3FFE];
	[sflag:s23] =	ssyncadd.s32 $0xFFFFFFFF  }
0xa5: {  	s26 =	simm.s32 $execute0_lowered;
	[smem:$0x3FD2] =	sst s25  }
0xa6: {  	s5 =	sshll.u32 s26, $0x1;
	_ =	strace $0x80000049;
	[dreg:$0x1] =	wrdreg $0xFFFFFFFF  }
0xa7: {  	s28 =	simm.s32 $_size_execute0_lowered;
	s3 =	sadd.s32 s3, s5;
	[dreg:$0x0] =	wrdreg $0x0  }
0xa8: {  	s5 =	sshll.u32 s28, $0x1;
	[dreg:$0x2] =	wrdreg s3  }
0xa9: {  	[dreg:$0x3] =	wrdreg s5  }
0xaa: {  	[dreg:$0x4] =	wrdreg $0xC0  }
0xab: {  	_ =	task [dreg:s7], $0x5FFFF  }
0xac: {  	[dreg:$0x1] =	wrdreg $0xFFFFFFFF  }
0xad: {  	[dreg:$0x0] =	wrdreg $0x60  }
0xae: {  	[dreg:$0x2] =	wrdreg s2  }
0xaf: {  	[dreg:$0x3] =	wrdreg s24  }
0xb0: {  	[dreg:$0x4] =	wrdreg $0x9  }
0xb1: {  	_ =	task.clear_ibuf [dreg:s7], $0x5FFFF;
	_ =	strace $0x90000049  }
0xb2: {  	s29 =	simm.s32 $0x9;
	_ =	strace $0x8000004B  }
0xb3: {  	_ =	swait.ge [sflag:s29], $0x1  }
0xb4: {  	[sflag:s29] =	ssyncadd.s32 $0xFFFFFFFF  }
0xb5: {  	_ =	strace $0x9000004B  }
0xb6: {  	_ =	sfence  }
0xb7: {  	s30 =	sld [smem:$0x0];
	_ =	sdelay $0x2  }
0xb8: {  	s31 =	sshll.u32 s1, $0xD;
	s1 =	sshrl.u32 s1, $0x2  }
0xb9: {  	s3 =	sand.u32 $0x4000, s31;
	s1 =	sadd.s32 s1, s30  }
0xba: {  	s0 =	sor.u32 s3, s0;
	s1 =	sshll.u32 s1, $0x11  }
0xbb: {  	s0 =	sor.u32 s1, s0  }
0xbc: {  	s0 =	sadd.s32 $0x8F2B, s0  }
0xbd: {  	[sflag:s0] =	ssyncadd.remote.s32 $0x1  }
0xbe: {  	_ =	sfence.sel $0xFFFF  }
0xbf: {  	[dreg:$0x0] =	wrdreg $0xFFFFFFFF;
	(pc) =	sbr.abs _section_cstart, $3  }
0xc0: {  	[dreg:$0x1] =	wrdreg $0xFFFFFFFF  }
0xc1: {  	_ =	task.clear_ibuf [dreg:s7], $0x2FFFF;
	_ =	strace $0x9FFFFFFF  }
0xc2: {  	(tm) =	ssettm $0x7FFFFFFF  }
0xc3: {  	_ =	shalt  }
tec
execute0_lowered:
.L_overlay_start_1:
0x0: {  	(tag) =	ssettag $0x1  }
0x1: {  	s2 =	rddreg [dreg:$0x0];
	s1 =	srdreg.scid  }
0x2: {  	s0 =	stileid.u32;
	s4 =	rddreg [dreg:$0x1];
	s3 =	simm.s32 $0x0  }
0x3: {  	s11 =	simm.s32 $0x0;
	s5 =	sand.u32 $0x1, s1;
	s1 =	rddreg [dreg:$0x2]  }
0x4: {  	s6 =	sshll.u32 s0, $0x1;
	[smem:$0x7FF] =	sst s3;
	s7 =	smul.u32 $0x19000, s0  }
0x5: {  	s6 =	sor.u32 s5, s6;
	s8 =	ssub.s32 $0x2, s5;
	s10 =	smul.u32 $0xC800, s5  }
0x6: {  	_ =	strace $0x8000004A;
	s6 =	smul.u32 $0x1400, s6;
	s9 =	sshrl.u32 s8, $0x1  }
0x7: {  	s30 =	sadd.s32 s7, s4;
	s7 =	simm.s32 $0x2;
	s31 =	ssub.s32 s8, s9  }
0x8: {  	s8 =	simm.s32 $0x80;
	s9 =	simm.s32 $0x1400;
	s6 =	sshrl.u32 s6, $0x3  }
0x9: {  	s5 =	smax.u32 s31, $0x1;
	s29 =	sadd.s32 s6, s4;
	s6 =	sadd.s32 s10, s30  }
0xa: {  	s10 =	simm.s32 $0x1;
	s4 =	sadd.s32 $0x568400, s29;
	s6 =	sadd.s32 $0x2C0400, s6  }
.LBB2_1:
0xb: {  	[tilespmem:s3], [sflag:$0x2] =	stream.linear.gather [hbm4b:s4+s3], $0x1400, $0x38;
	[tilespmem:$0x3C00] =	vst v63  }
0xc: {  	_ =	swait.ge [sflag:s7], $0x1400  }
0xd: {  	[sflag:s7] =	ssyncset.done $0x0  }
0xe: {  	s12 =	simm.s32 $0x0;
	[sflag:s7] =	ssyncadd.s32 $0xFFFFEC00  }
0xf: {  	[tilespmem:s9], [sflag:$0x1] =	stream.indirect.gather [hbm4b:s2+s8], $0x50, s12, s8, $0xb8;
	[tilespmem:$0x3C00] =	vst v63  }
0x10: {  	_ =	swait.ge [sflag:s10], $0x2800  }
0x11: {  	[sflag:s10] =	ssyncset.done $0x0  }
0x12: {  	[sflag:s10] =	ssyncadd.s32 $0xFFFFD800  }
0x13: {  	[hbm4b:s6+s3] =	stream.linear.scatter [tilespmem:s9], [sflag:$0x2], $0x2800, $0x38;
	[tilespmem:$0x3C00] =	vst v63  }
0x14: {  	s13 =	simm.s32 $0x200;
	_ =	swait.ge [sflag:s7], $0x2800  }
0x15: {  	s14 =	simm.s32 $0x400;
	s12 =	sadd.s32 $0x500, s6;
	[sflag:s7] =	ssyncset.done $0x0  }
.LBB2_2:
0x16: {  	s15 =	sshra.s32 s13, $0x2  }
0x17: {  	[sflag:s7] =	ssyncadd.s32 $0xFFFFD800;
	s13 =	smov.u32 s14;
	s16 =	sadd.s32 $0x200, s14  }
0x18: {  	[tilespmem:s9], [sflag:$0x1] =	stream.indirect.gather [hbm4b:s2+s8], $0x50, s15, s8, $0xb8;
	[tilespmem:$0x3C00] =	vst v63  }
0x19: {  	p0 =	sne.s32 s14, $0x4E00;
	_ =	swait.ge [sflag:s10], $0x2800  }
.Ltmp0:
0x1a: {  	[sflag:s10] =	ssyncset.done $0x0;
	(pc) =	sbr.rel @p0 .LBB2_2-.Ltmp0, $4  }
0x1b: {  	[sflag:s10] =	ssyncadd.s32 $0xFFFFD800  }
0x1c: {  	[hbm4b:s12+s3] =	stream.linear.scatter [tilespmem:s9], [sflag:$0x2], $0x2800, $0x38;
	[tilespmem:$0x3C00] =	vst v63  }
0x1d: {  	_ =	swait.ge [sflag:s7], $0x2800  }
0x1e: {  	s14 =	smov.u32 s16;
	s12 =	sadd.s32 $0x500, s12;
	[sflag:s7] =	ssyncset.done $0x0  }
0x1f: {  	s13 =	sshra.s32 s13, $0x2;
	[sflag:s7] =	ssyncadd.s32 $0xFFFFD800  }
0x20: {  	[tilespmem:s9], [sflag:$0x1] =	stream.indirect.gather [hbm4b:s2+s8], $0x50, s13, s8, $0xb8;
	[tilespmem:$0x3C00] =	vst v63  }
0x21: {  	s11 =	sadd.s32 $0x1, s11;
	_ =	swait.ge [sflag:s10], $0x2800  }
0x22: {  	p0 =	sne.s32 s11, s5;
	[sflag:s10] =	ssyncset.done $0x0  }
.Ltmp1:
0x23: {  	[sflag:s10] =	ssyncadd.s32 $0xFFFFD800;
	(pc) =	sbr.rel @p0 .LBB2_1-.Ltmp1, $4  }
0x24: {  	[hbm4b:s12+s3] =	stream.linear.scatter [tilespmem:s9], [sflag:$0x2], $0x2800, $0x38;
	[tilespmem:$0x3C00] =	vst v63  }
0x25: {  	_ =	swait.ge [sflag:s7], $0x2800  }
0x26: {  	[sflag:s7] =	ssyncset.done $0x0  }
0x27: {  	[sflag:s7] =	ssyncadd.s32 $0xFFFFD800  }
0x28: {  	_ =	sfence.sel $0x180000  }
0x29: {  	[bflag:$0x0] =	sbarrier.arrive $0xFFFF  }
0x2a: {  	p0 =	sne.s32 s0, $0x0;
	_ =	strace $0x9000004A  }
0x2b: {  	s0 =	sadd.s32 @!p0 $0x100000, s1;
	[bflag:$0x2] =	sbarrier.arrive $0xFFFF  }
0x2c: {  	[sflag:s0] =	ssyncadd.tile.s32 @!p0 $0x1;
	_ =	shalt  }
.Lfunc_end2:
_tile_overlayer_lowered:
.L_overlay_start_2:
0x2d: {  	(tag) =	ssettag $0x2  }
0x2e: {  	s0 =	rddreg [dreg:$0x0];
	s2 =	stileid.u32  }
0x2f: {  	s1 =	rddreg [dreg:$0x1];
	p0 =	sne.s32 s2, $0x0  }
0x30: {  	s3 =	rddreg [dreg:$0x2];
	[bflag:$0x3] =	sbarrier.arrive $0xFFFF;
	s2 =	simm.s32 @!p0 $0x1C02  }
0x31: {  	[timem:s3], [sflag:s2] =	dma.local @!p0 [hbm:s0], s1  }
0x32: {  	s0 =	simm.s32 @!p0 $0x2  }
0x33: {  	_ =	swait.ge @!p0 [sflag:s0], s1  }
0x34: {  	s1 =	ssub.s32 @!p0 $0x0, s1;
	[sflag:s0] =	ssyncset.done @!p0 $0x0  }
0x35: {  	[sflag:s0] =	ssyncadd.s32 @!p0 s1  }
0x36: {  	[bflag:$0x3] =	sbarrier.arrive $0xFFFF  }
0x37: {  	_ =	shalt  }

// kernel: kernel.9.cloned.1.call-start
scs
__scs_entry_jumppad:
0x0: {  	(pc) =	sbr.rel $0x88, $3  }
0x1: {  	(tag) =	ssettag $0x0;
	lr =	simm.s32 $0x1  }
0x2: {  	[smem:$0x3F77] =	sst lr;
	_ =	strace $0xD0000000  }
0x3: {  	_ = 	snop  }
0x4: {  	_ = 	snop  }
0x5: {  	_ = 	snop  }
0x6: {  	_ = 	snop  }
0x7: {  	_ = 	snop  }
__scs_overlays_trampoline_lowered:
0x8: {  	[smem:$0x3F86] =	sst s0  }
0x9: {  	[smem:$0x3F87] =	sst s1  }
0xa: {  	[smem:$0x3F88] =	sst s2  }
0xb: {  	[smem:$0x3F89] =	sst s3  }
0xc: {  	[smem:$0x3F8A] =	sst s4  }
0xd: {  	[smem:$0x3F8B] =	sst s5  }
0xe: {  	[smem:$0x3F8C] =	sst s6  }
0xf: {  	[smem:$0x3F8D] =	sst s7  }
0x10: {  	[smem:$0x3F8E] =	sst s8  }
0x11: {  	[smem:$0x3F8F] =	sst s9;
	s0 =	simm.s32 @!p0 $0x0  }
0x12: {  	s1 =	sld [smem:$0x3F75];
	s0 =	simm.s32 @p0 $0x1  }
0x13: {  	[smem:$0x3F90] =	sst s0;
	s0 =	simm.s32 @!p1 $0x0  }
0x14: {  	s2 =	sld [smem:$0x3F74];
	s0 =	simm.s32 @p1 $0x1  }
0x15: {  	[smem:$0x3F91] =	sst s0;
	s0 =	simm.s32 @!p2 $0x0  }
0x16: {  	s3 =	sld [smem:$0x3FDB];
	s0 =	simm.s32 @p2 $0x1  }
0x17: {  	s4 =	simm.s32 $0x1BF5;
	[smem:$0x3F93] =	sst s0  }
0x18: {  	s0 =	sld [smem:$0x3F76];
	_ =	swait.ge [sflag:s4], $0x0  }
0x19: {  	s7 =	sld [smem:$0x3F77]  }
0x1a: {  	s8 =	sadd.s32 $0xFFFFE003, lr  }
0x1b: {  	s9 =	sadd.s32 $0xFFFFFEF7, lr;
	s5 =	simm.s32 $0xFFFFFFFF;
	p2 =	slt.u32 s8, $0xFFFFF086  }
0x1c: {  	p1 =	slt.u32 s9, $0xF7A;
	s5 =	simm.s32 @!p2 $0x0  }
0x1d: {  	s5 =	simm.s32 @p1 $0x1;
	p0 =	seq.s32 s7, s2  }
0x1e: {  	s7 =	smul.u32 @!p0 $0xF7A, s2;
	p2 =	seq.s32 @!p0 s5, $0x0  }
0x1f: {  	s9 =	smul.u32 $0xF7A, s1;
	s8 =	simm.s32 @!p0 $0x1BF5;
	p2 =	por !p2, p0  }
0x20: {  	[sflag:s8] =	ssyncset.s32 @!p0 $0xFFFFF086;
	s6 =	sadd.s32 @!p0 s3, s7;
	s7 =	simm.s32 @!p0 $0x108  }
0x21: {  	s3 =	sadd.s32 s3, s9;
	s6 =	sadd.s32 @!p0 $0x88, s6;
	s7 =	simm.s32 @p2 $0x1082  }
0x22: {  	[simem:s7], [sflag:s8] =	dma.local @!p0 [hbm:s6], $0xF7A  }
0x23: {  	s9 =	sor.u32 $0xD0000000, s2;
	s6 =	simm.s32 $0x108;
	_ =	swait.ge @!p0 [sflag:s8], $0x0  }
0x24: {  	s3 =	sadd.s32 $0x88, s3;
	s6 =	simm.s32 @!p1 $0x1082;
	[sflag:s4] =	ssyncset.s32 $0xFFFFF086  }
0x25: {  	[simem:s6], [sflag:s4] =	dma.local [hbm:s3], $0xF7A  }
0x26: {  	[smem:$0x3F77] =	sst s1;
	(tag) =	ssettag s2;
	_ =	strace s9  }
0x27: {  	s1 =	sld [smem:$0x3F87]  }
0x28: {  	s2 =	sld [smem:$0x3F88]  }
0x29: {  	s4 =	sld [smem:$0x3F8A]  }
0x2a: {  	p0 =	seq.s32 s5, $0x0;
	s5 =	sld [smem:$0x3F8B]  }
0x2b: {  	s6 =	sld [smem:$0x3F8C]  }
0x2c: {  	s7 =	sld [smem:$0x3F8D]  }
0x2d: {  	s3 =	simm.s32 $0x108;
	s8 =	sld [smem:$0x3F8E]  }
0x2e: {  	s3 =	simm.s32 @!p0 $0x1082;
	s9 =	sld [smem:$0x3F8F]  }
0x2f: {  	lr =	sadd.s32 s0, s3;
	s0 =	sld [smem:$0x3F86]  }
0x30: {  	s3 =	sld [smem:$0x3F89]  }
0x31: {  	[smem:$0x3F92] =	sst s10  }
0x32: {  	s10 =	sld [smem:$0x3F90];
	_ =	sdelay $0x3  }
0x33: {  	p0 =	seq.s32 s10, $0x1;
	s10 =	sld [smem:$0x3F92];
	_ =	sdelay $0x3  }
0x34: {  	[smem:$0x3F92] =	sst s10  }
0x35: {  	s10 =	sld [smem:$0x3F91];
	_ =	sdelay $0x3  }
0x36: {  	p1 =	seq.s32 s10, $0x1;
	s10 =	sld [smem:$0x3F92];
	_ =	sdelay $0x3  }
0x37: {  	[smem:$0x3F92] =	sst s10  }
0x38: {  	s10 =	sld [smem:$0x3F93]  }
0x39: {  	_ = 	snop;
	(pc) =	sbr.ind lr, $3  }
0x3a: {  	_ = 	snop  }
0x3b: {  	_ = 	snop  }
0x3c: {  	p2 =	seq.s32 s10, $0x1;
	s10 =	sld [smem:$0x3F92]  }
0x3d: {  	_ =	shalt  }
0x3e: {  	_ =	shalt  }
0x3f: {  	_ =	shalt  }
0x40: {  	_ =	shalt  }
0x41: {  	_ =	shalt  }
0x42: {  	_ =	shalt  }
0x43: {  	_ =	shalt  }
0x44: {  	_ =	shalt  }
0x45: {  	_ =	shalt  }
0x46: {  	_ =	shalt  }
0x47: {  	_ =	shalt  }
0x48: {  	_ =	shalt  }
0x49: {  	_ =	shalt  }
0x4a: {  	_ =	shalt  }
0x4b: {  	_ =	shalt  }
0x4c: {  	_ =	shalt  }
0x4d: {  	_ =	shalt  }
0x4e: {  	_ =	shalt  }
0x4f: {  	_ =	shalt  }
0x50: {  	_ =	shalt  }
0x51: {  	_ =	shalt  }
0x52: {  	_ =	shalt  }
0x53: {  	_ =	shalt  }
0x54: {  	_ =	shalt  }
0x55: {  	_ =	shalt  }
0x56: {  	_ =	shalt  }
0x57: {  	_ =	shalt  }
0x58: {  	_ =	shalt  }
0x59: {  	_ =	shalt  }
0x5a: {  	_ =	shalt  }
0x5b: {  	_ =	shalt  }
0x5c: {  	_ =	shalt  }
0x5d: {  	_ =	shalt  }
0x5e: {  	_ =	shalt  }
0x5f: {  	_ =	shalt  }
0x60: {  	_ =	shalt  }
0x61: {  	_ =	shalt  }
0x62: {  	_ =	shalt  }
0x63: {  	_ =	shalt  }
0x64: {  	_ =	shalt  }
0x65: {  	_ =	shalt  }
0x66: {  	_ =	shalt  }
0x67: {  	_ =	shalt  }
0x68: {  	_ =	shalt  }
0x69: {  	_ =	shalt  }
0x6a: {  	_ =	shalt  }
0x6b: {  	_ =	shalt  }
0x6c: {  	_ =	shalt  }
0x6d: {  	_ =	shalt  }
0x6e: {  	_ =	shalt  }
0x6f: {  	_ =	shalt  }
0x70: {  	_ =	shalt  }
0x71: {  	_ =	shalt  }
0x72: {  	_ =	shalt  }
0x73: {  	_ =	shalt  }
0x74: {  	_ =	shalt  }
0x75: {  	_ =	shalt  }
0x76: {  	_ =	shalt  }
0x77: {  	_ =	shalt  }
0x78: {  	_ =	shalt  }
0x79: {  	_ =	shalt  }
0x7a: {  	_ =	shalt  }
0x7b: {  	_ =	shalt  }
0x7c: {  	_ =	shalt  }
0x7d: {  	_ =	shalt  }
0x7e: {  	_ =	shalt  }
0x7f: {  	_ =	shalt  }
0x80: {  	_ =	shalt  }
0x81: {  	_ =	shalt  }
0x82: {  	_ =	shalt  }
0x83: {  	_ =	shalt  }
0x84: {  	_ =	shalt  }
0x85: {  	_ =	shalt  }
0x86: {  	_ =	shalt  }
0x87: {  	_ =	shalt  }
.Lfunc_end0:
.L_simem_size_0:
called_computation_lowered:
.L_overlay_start_0:
0x88: {  	s2 =	sld [smem:$0x3FD9]  }
0x89: {  	s3 =	sld [smem:$0x3FFE];
	_ =	sdelay $0x1  }
0x8a: {  	s1 =	srdreg.scid  }
0x8b: {  	s0 =	sand.u32 $0x1, s1  }
0x8c: {  	s16 =	sshll.u32 s0, $0xA;
	s2 =	sadd.s32 s3, s2  }
0x8d: {  	s2 =	sadd.s32 s2, s16  }
0x8e: {  	[smem:$0x3F9E] =	sst s2  }
0x8f: {  	_ = 	snop  }
0x90: {  	(tm) =	ssettm $0x1  }
0x91: {  	s17 =	sld [smem:$0x3FFB];
	_ =	sdelay $0x3  }
0x92: {  	_ =	strace s17  }
0x93: {  	s2 =	sld [smem:$0x3FFC];
	_ =	sdelay $0x3  }
0x94: {  	_ =	strace s2  }
0x95: {  	s2 =	sld [smem:$0x3FFD];
	_ =	sdelay $0x3  }
0x96: {  	_ =	strace s2  }
0x97: {  	_ =	strace $0x8FFFFFFF  }
0x98: {  	s18 =	sld [smem:$0x3FDB];
	_ =	sdelay $0x1  }
0x99: {  	s19 =	simm.s32 $_scs_section_size  }
0x9a: {  	s4 =	simm.s32 $_size__tile_overlayer_lowered;
	s5 =	simm.s32 $_tile_overlayer_lowered  }
0x9b: {  	s22 =	simm.s32 $0x1BFF;
	s21 =	sshll.u32 s5, $0x1;
	s2 =	sadd.s32 s19, s18  }
0x9c: {  	s6 =	simm.s32 $0x0;
	s20 =	sshll.u32 s4, $0x1;
	s4 =	sadd.s32 s21, s2  }
0x9d: {  	[timem:s6], [sflag:s22] =	dma.local [hbm:s4], s20  }
0x9e: {  	_ =	swait.ge [sflag:s22], s20  }
0x9f: {  	s3 =	ssub.s32 $0x0, s20;
	[sflag:s22] =	ssyncset.done $0x0  }
0xa0: {  	[sflag:s22] =	ssyncadd.s32 s3;
	_ =	sdelay $0x1  }
0xa1: {  	s23 =	simm.s32 $0x1B8B  }
0xa2: {  	_ =	swait.ge [sflag:s23], $0x1  }
0xa3: {  	[sflag:s23] =	ssyncset.done $0x0  }
0xa4: {  	s25 =	simm.s32 $0x1B8E;
	s24 =	sld [smem:$0x3FFE];
	[sflag:s23] =	ssyncadd.s32 $0xFFFFFFFF  }
0xa5: {  	s26 =	simm.s32 $execute0_lowered;
	[smem:$0x3FD2] =	sst s25  }
0xa6: {  	s4 =	sshll.u32 s26, $0x1;
	_ =	strace $0x80000046;
	[dreg:$0x1] =	wrdreg $0xFFFFFFFF  }
0xa7: {  	s28 =	simm.s32 $_size_execute0_lowered;
	s2 =	sadd.s32 s2, s4;
	[dreg:$0x0] =	wrdreg $0x0  }
0xa8: {  	s4 =	sshll.u32 s28, $0x1;
	[dreg:$0x2] =	wrdreg s2  }
0xa9: {  	[dreg:$0x3] =	wrdreg s4  }
0xaa: {  	[dreg:$0x4] =	wrdreg $0xC0  }
0xab: {  	_ =	task [dreg:s6], $0x5FFFF  }
0xac: {  	[dreg:$0x1] =	wrdreg $0xFFFFFFFF  }
0xad: {  	[dreg:$0x0] =	wrdreg $0x60  }
0xae: {  	[dreg:$0x2] =	wrdreg s24  }
0xaf: {  	[dreg:$0x3] =	wrdreg $0x9  }
0xb0: {  	_ =	task.clear_ibuf [dreg:s6], $0x4FFFF;
	_ =	strace $0x90000046  }
0xb1: {  	s29 =	simm.s32 $0x9;
	_ =	strace $0x80000048  }
0xb2: {  	_ =	swait.ge [sflag:s29], $0x1  }
0xb3: {  	[sflag:s29] =	ssyncadd.s32 $0xFFFFFFFF  }
0xb4: {  	_ =	strace $0x90000048  }
0xb5: {  	_ =	sfence  }
0xb6: {  	s30 =	sld [smem:$0x0];
	_ =	sdelay $0x2  }
0xb7: {  	s31 =	sshll.u32 s1, $0xD;
	s1 =	sshrl.u32 s1, $0x2  }
0xb8: {  	s3 =	sand.u32 $0x4000, s31;
	s1 =	sadd.s32 s1, s30  }
0xb9: {  	s0 =	sor.u32 s3, s0;
	s1 =	sshll.u32 s1, $0x11  }
0xba: {  	s0 =	sor.u32 s1, s0  }
0xbb: {  	s0 =	sadd.s32 $0x8F2B, s0  }
0xbc: {  	[sflag:s0] =	ssyncadd.remote.s32 $0x1  }
0xbd: {  	_ =	sfence.sel $0xFFFF  }
0xbe: {  	[dreg:$0x0] =	wrdreg $0xFFFFFFFF;
	(pc) =	sbr.abs _section_cstart, $3  }
0xbf: {  	[dreg:$0x1] =	wrdreg $0xFFFFFFFF  }
0xc0: {  	_ =	task.clear_ibuf [dreg:s6], $0x2FFFF;
	_ =	strace $0x9FFFFFFF  }
0xc1: {  	(tm) =	ssettm $0x7FFFFFFF  }
tec
execute0_lowered:
.L_overlay_start_1:
0x0: {  	(tag) =	ssettag $0x1  }
0x1: {  	s4 =	rddreg [dreg:$0x0]  }
0x2: {  	s0 =	rddreg [dreg:$0x1]  }
0x3: {  	s2 =	simm.s32 $0x0;
	s3 =	srdreg.scid;
	s1 =	stileid.u32  }
0x4: {  	s11 =	simm.s32 $0x0;
	[smem:$0x7FF] =	sst s2;
	s5 =	sand.u32 $0x1, s3  }
0x5: {  	s3 =	sadd.s32 $0x18400, s4;
	s6 =	sshll.u32 s1, $0xD;
	s28 =	smul.u32 $0x24000, s1  }
0x6: {  	_ =	strace $0x80000047;
	s7 =	sshll.u32 s5, $0xC;
	s8 =	ssub.s32 $0x2, s5  }
0x7: {  	s10 =	smul.u32 $0x12000, s5;
	s6 =	sor.u32 s7, s6;
	s9 =	sshrl.u32 s8, $0x1  }
0x8: {  	s30 =	sadd.s32 s28, s4;
	s7 =	simm.s32 $0x2;
	s6 =	sshrl.u32 s6, $0x3  }
0x9: {  	s31 =	ssub.s32 s8, s9;
	s8 =	simm.s32 $0x80;
	s9 =	simm.s32 $0x1000  }
0xa: {  	s29 =	sadd.s32 s6, s4;
	s5 =	smax.u32 s31, $0x1;
	s6 =	sadd.s32 s10, s30  }
0xb: {  	s10 =	simm.s32 $0x1;
	s4 =	sadd.s32 $0x54400, s29;
	s6 =	sadd.s32 $0x58400, s6  }
.LBB2_1:
0xc: {  	[tilespmem:s2], [sflag:$0x2] =	stream.linear.gather [hbm4b:s4+s2], $0x1000, $0x38;
	[tilespmem:$0x5800] =	vst v63  }
0xd: {  	_ =	swait.ge [sflag:s7], $0x1000  }
0xe: {  	[sflag:s7] =	ssyncset.done $0x0  }
0xf: {  	s12 =	simm.s32 $0x0;
	[sflag:s7] =	ssyncadd.s32 $0xFFFFF000  }
0x10: {  	[tilespmem:s9], [sflag:$0x1] =	stream.indirect.gather [hbm4b:s3+s8], $0x90, s12, s8, $0xb8;
	[tilespmem:$0x5800] =	vst v63  }
0x11: {  	_ =	swait.ge [sflag:s10], $0x4800  }
0x12: {  	[sflag:s10] =	ssyncset.done $0x0  }
0x13: {  	[sflag:s10] =	ssyncadd.s32 $0xFFFFB800  }
0x14: {  	[hbm4b:s6+s2] =	stream.linear.scatter [tilespmem:s9], [sflag:$0x2], $0x4800, $0x38;
	[tilespmem:$0x5800] =	vst v63  }
0x15: {  	s13 =	simm.s32 $0x200;
	_ =	swait.ge [sflag:s7], $0x4800  }
0x16: {  	s14 =	simm.s32 $0x400;
	s12 =	sadd.s32 $0x900, s6;
	[sflag:s7] =	ssyncset.done $0x0  }
.LBB2_2:
0x17: {  	s15 =	sshra.s32 s13, $0x2  }
0x18: {  	[sflag:s7] =	ssyncadd.s32 $0xFFFFB800;
	s13 =	smov.u32 s14;
	s16 =	sadd.s32 $0x200, s14  }
0x19: {  	[tilespmem:s9], [sflag:$0x1] =	stream.indirect.gather [hbm4b:s3+s8], $0x90, s15, s8, $0xb8;
	[tilespmem:$0x5800] =	vst v63  }
0x1a: {  	p0 =	sne.s32 s14, $0x3E00;
	_ =	swait.ge [sflag:s10], $0x4800  }
.Ltmp0:
0x1b: {  	[sflag:s10] =	ssyncset.done $0x0;
	(pc) =	sbr.rel @p0 .LBB2_2-.Ltmp0, $4  }
0x1c: {  	[sflag:s10] =	ssyncadd.s32 $0xFFFFB800  }
0x1d: {  	[hbm4b:s12+s2] =	stream.linear.scatter [tilespmem:s9], [sflag:$0x2], $0x4800, $0x38;
	[tilespmem:$0x5800] =	vst v63  }
0x1e: {  	_ =	swait.ge [sflag:s7], $0x4800  }
0x1f: {  	s14 =	smov.u32 s16;
	s12 =	sadd.s32 $0x900, s12;
	[sflag:s7] =	ssyncset.done $0x0  }
0x20: {  	s13 =	sshra.s32 s13, $0x2;
	[sflag:s7] =	ssyncadd.s32 $0xFFFFB800  }
0x21: {  	[tilespmem:s9], [sflag:$0x1] =	stream.indirect.gather [hbm4b:s3+s8], $0x90, s13, s8, $0xb8;
	[tilespmem:$0x5800] =	vst v63  }
0x22: {  	s11 =	sadd.s32 $0x1, s11;
	_ =	swait.ge [sflag:s10], $0x4800  }
0x23: {  	p0 =	sne.s32 s11, s5;
	[sflag:s10] =	ssyncset.done $0x0  }
.Ltmp1:
0x24: {  	[sflag:s10] =	ssyncadd.s32 $0xFFFFB800;
	(pc) =	sbr.rel @p0 .LBB2_1-.Ltmp1, $4  }
0x25: {  	[hbm4b:s12+s2] =	stream.linear.scatter [tilespmem:s9], [sflag:$0x2], $0x4800, $0x38;
	[tilespmem:$0x5800] =	vst v63  }
0x26: {  	_ =	swait.ge [sflag:s7], $0x4800  }
0x27: {  	[sflag:s7] =	ssyncset.done $0x0  }
0x28: {  	[sflag:s7] =	ssyncadd.s32 $0xFFFFB800  }
0x29: {  	_ =	sfence.sel $0x180000  }
0x2a: {  	[bflag:$0x0] =	sbarrier.arrive $0xFFFF  }
0x2b: {  	p0 =	sne.s32 s1, $0x0;
	_ =	strace $0x90000047  }
0x2c: {  	s0 =	sadd.s32 @!p0 $0x100000, s0;
	[bflag:$0x2] =	sbarrier.arrive $0xFFFF  }
0x2d: {  	[sflag:s0] =	ssyncadd.tile.s32 @!p0 $0x1;
	_ =	shalt  }
.Lfunc_end2:
_tile_overlayer_lowered:
.L_overlay_start_2:
0x2e: {  	(tag) =	ssettag $0x2  }
0x2f: {  	s0 =	rddreg [dreg:$0x0];
	s2 =	stileid.u32  }
0x30: {  	s1 =	rddreg [dreg:$0x1];
	p0 =	sne.s32 s2, $0x0  }
0x31: {  	s3 =	rddreg [dreg:$0x2];
	[bflag:$0x3] =	sbarrier.arrive $0xFFFF;
	s2 =	simm.s32 @!p0 $0x1C02  }
0x32: {  	[timem:s3], [sflag:s2] =	dma.local @!p0 [hbm:s0], s1  }
0x33: {  	s0 =	simm.s32 @!p0 $0x2  }
0x34: {  	_ =	swait.ge @!p0 [sflag:s0], s1  }
0x35: {  	s1 =	ssub.s32 @!p0 $0x0, s1;
	[sflag:s0] =	ssyncset.done @!p0 $0x0  }
0x36: {  	[sflag:s0] =	ssyncadd.s32 @!p0 s1  }
0x37: {  	[bflag:$0x3] =	sbarrier.arrive $0xFFFF  }
0x38: {  	_ =	shalt  }

</sc_bundles>
